<compile_context>
chip_gen: v7x
topology: tpu7x:2x2x1
jax: 0.10.2.dev20260603
libtpu: 0.0.44.dev20260713+nightly
codegen_flags: <defaults>
</compile_context>

<pallas_src>
import functools

import jax
import jax.numpy as jnp
from jax import lax
from jax.experimental import pallas as pl
from jax.experimental.pallas import tpu as pltpu
from jax.experimental.pallas import tpu_sc as plsc

M = 16384
N = 8192
K = 256

BM = 4096
BN = 512


def _dist_argmin_body(x_ref, e_ref, d_ref, idx_ref, minv, mini, colsf):
    m = pl.program_id(0)
    n = pl.program_id(1)

    @pl.when((m == 0) & (n == 0))
    def _():
        colsf[...] = lax.broadcasted_iota(
            jnp.int32, (BM, BN), 1).astype(jnp.float32)

    d = lax.dot_general(x_ref[...], e_ref[...], (((1,), (1,)), ((), ())),
                        preferred_element_type=jnp.float32)
    d_ref[...] = d
    mn = jnp.min(d, axis=1, keepdims=True)
    amf = jnp.min(jnp.where(d == mn, colsf[...], jnp.float32(N)),
                  axis=1, keepdims=True)
    am = amf.astype(jnp.int32) + n * BN

    @pl.when(n == 0)
    def _():
        minv[...] = mn
        mini[...] = am

    @pl.when(n > 0)
    def _():
        better = mn < minv[...]
        minv[...] = jnp.where(better, mn, minv[...])
        mini[...] = jnp.where(better, am, mini[...])

    @pl.when(n == N // BN - 1)
    def _():
        idx_ref[...] = mini[...]


def _dist_argmin(neg_ze_norm, emb_norm):
    return pl.pallas_call(
        _dist_argmin_body,
        grid=(M // BM, N // BN),
        in_specs=[
            pl.BlockSpec((BM, K), lambda m, n: (m, 0)),
            pl.BlockSpec((BN, K), lambda m, n: (n, 0)),
        ],
        out_specs=[
            pl.BlockSpec((BM, BN), lambda m, n: (m, n)),
            pl.BlockSpec((BM, 1), lambda m, n: (m, 0)),
        ],
        out_shape=[
            jax.ShapeDtypeStruct((M, N), jnp.float32),
            jax.ShapeDtypeStruct((M, 1), jnp.int32),
        ],
        scratch_shapes=[
            pltpu.VMEM((BM, 1), jnp.float32),
            pltpu.VMEM((BM, 1), jnp.int32),
            pltpu.VMEM((BM, BN), jnp.float32),
        ],
        compiler_params=pltpu.CompilerParams(
            dimension_semantics=("arbitrary", "arbitrary"),
            vmem_limit_bytes=100 * 1024 * 1024),
    )(neg_ze_norm, emb_norm)



NC = 2
NS = 16
NW = NC * NS
RPW = M // NW
CHUNK = 128
NCH = RPW // CHUNK
VPC = CHUNK // 16


def _sc_gather_count_body(emb_hbm, idx_hbm, zeros_hbm,
                          zq_hbm, cnt_hbm,
                          i0, i1, i2, i3, rows_a, rows_b, priv, gsem, ssem):
    idx_refs = (i0, i1, i2, i3)
    bufs = (rows_a, rows_b)
    c = lax.axis_index("c")
    s = lax.axis_index("s")
    wid = s * NC + c
    base = wid * RPW

    for ch in range(NCH):
        pltpu.sync_copy(idx_hbm.at[pl.ds(base + ch * CHUNK, CHUNK)],
                        idx_refs[ch])
    pltpu.sync_copy(zeros_hbm, priv)

    gd = [None] * NCH
    sd = [None] * NCH
    gd[0] = pltpu.async_copy(emb_hbm.at[idx_refs[0]], bufs[0], gsem)

    ones16 = jnp.full((16,), 1.0, jnp.float32)
    for ch in range(NCH):
        for v in range(VPC):
            iv = idx_refs[ch][pl.ds(v * 16, 16)]
            plsc.addupdate_scatter(priv, [iv], ones16)

    for ch in range(NCH):
        gd[ch].wait()
        if ch > 0:
            sd[ch - 1].wait()
        sd[ch] = pltpu.async_copy(
            bufs[ch % 2], zq_hbm.at[pl.ds(base + ch * CHUNK, CHUNK)], ssem)
        if ch + 1 < NCH:
            gd[ch + 1] = pltpu.async_copy(
                emb_hbm.at[idx_refs[ch + 1]], bufs[(ch + 1) % 2], gsem)
    pltpu.sync_copy(priv, cnt_hbm.at[pl.ds(wid * N, N)])
    sd[NCH - 1].wait()


def _sc_gather_count(embedding, idx_flat):
    mesh = plsc.VectorSubcoreMesh(core_axis_name="c", subcore_axis_name="s")
    kern = functools.partial(
        pl.kernel,
        mesh=mesh,
        out_type=[
            jax.ShapeDtypeStruct((M, K), jnp.float32),
            jax.ShapeDtypeStruct((NW * N,), jnp.float32),
        ],
        scratch_types=[
            pltpu.VMEM((CHUNK,), jnp.int32),
            pltpu.VMEM((CHUNK,), jnp.int32),
            pltpu.VMEM((CHUNK,), jnp.int32),
            pltpu.VMEM((CHUNK,), jnp.int32),
            pltpu.VMEM((CHUNK, K), jnp.float32),
            pltpu.VMEM((CHUNK, K), jnp.float32),
            pltpu.VMEM((N,), jnp.float32),
            pltpu.SemaphoreType.DMA,
            pltpu.SemaphoreType.DMA,
        ],
        compiler_params=pltpu.CompilerParams(needs_layout_passes=False),
    )(_sc_gather_count_body)
    zeros = jnp.zeros((N,), jnp.float32)
    return kern(embedding, idx_flat, zeros)



def _stats_body(cnt_ref, codeuse_ref, perp_ref):
    part = cnt_ref[...]
    cnt = jnp.sum(part, axis=0)
    codeuse_ref[...] = cnt.reshape(1, N)
    probs = cnt * (1.0 / M)
    perp_ref[...] = jnp.exp(-jnp.sum(probs * jnp.log(probs + 1e-07))).reshape(1, 1)


def _stats(cnt_part):
    return pl.pallas_call(
        _stats_body,
        out_shape=[
            jax.ShapeDtypeStruct((1, N), jnp.float32),
            jax.ShapeDtypeStruct((1, 1), jnp.float32),
        ],
    )(cnt_part)



def kernel(x, embedding):
    ze = x.reshape(-1, K)
    ze_norm = ze / jnp.maximum(jnp.linalg.norm(ze, axis=-1, keepdims=True), 1e-12)
    emb_norm = embedding / jnp.maximum(
        jnp.linalg.norm(embedding, axis=1, keepdims=True), 1e-12)

    d, idx2 = _dist_argmin(-ze_norm, emb_norm)
    zq, cnt_part = _sc_gather_count(embedding, idx2.reshape(M))
    cnt_part = cnt_part.reshape(NW, N)
    codeuse, perp = _stats(cnt_part)

    return (zq, d, idx2, codeuse.reshape(N), perp.reshape(()))

# --- scband reference (transcript-rebuilt; emitter-appended) ---
"""Pipeline reference for scband-kmeans-vector-quantizer-vqgan2-65730179498157 (READ-ONLY COPY).

The authoritative reference and input builder live on the scoring server;
editing this copy changes nothing except your own understanding.
"""

import jax, jax.numpy as jnp
import numpy as np

NUM_VARS = 8192
VAR_DIM = 256
GROUPS = 1


def l2norm(t, axis=-1, eps=1e-12):
    n = jnp.linalg.norm(t, axis=axis, keepdims=True)
    return t / jnp.maximum(n, eps)


def setup_inputs(seed: int = 0) -> dict:
    key = jax.random.key(seed)
    k1, k2 = jax.random.split(key)
    x = jax.random.normal(k1, (16384, 256), dtype=jnp.float32)
    # ema=0 branch: embedding is a learned Parameter, uniform(-1/num_vars, 1/num_vars)
    embedding = jax.random.uniform(k2, (NUM_VARS, VAR_DIM), dtype=jnp.float32,
                                   minval=-1.0 / NUM_VARS, maxval=1.0 / NUM_VARS)
    return {"x": x, "embedding": embedding}


def reference(x, embedding):
    nsz, fsz = x.shape
    dtype = x.dtype
    ze = x.reshape(-1, VAR_DIM)
    # use_cosine == 1 path
    ze_norm = l2norm(ze, axis=-1)
    # ema == 0 -> init_embed_ is a no-op
    emb_norm = l2norm(embedding, axis=1)
    d = -(ze_norm @ emb_norm.T)
    idx = jnp.argmin(d, axis=1)
    zq = jnp.take(embedding, idx, axis=0)
    # straight-through estimator: y.detach() + (x - x.detach())
    x_out = jax.lax.stop_gradient(zq) + (ze - jax.lax.stop_gradient(ze))
    x_out = x_out.reshape(nsz, -1)
    idx_out = jax.lax.stop_gradient(idx).reshape(-1, GROUPS)
    hard_x = jax.nn.one_hot(idx, NUM_VARS, dtype=dtype)
    codeuse = hard_x.sum(axis=0)
    hard_probs = jnp.mean(hard_x.astype(jnp.float32), axis=0)
    code_perplexity = jnp.exp(-jnp.sum(hard_probs * jnp.log(hard_probs + 1e-07), axis=-1))
    return (x_out, d, idx_out, codeuse, code_perplexity)

if __name__ == "__main__":
    import jax
    _d = setup_inputs()
    print(jax.jit(kernel)(*tuple(_d.values())))

</pallas_src>

<mosaic_0001>
#map = affine_map<(d0, d1) -> (0, 0)>
#map1 = affine_map<(d0, d1) -> (0)>
module attributes {stable_mosaic.version = 14 : i64} {
  func.func @_sc_gather_count_body(%arg0: i32, %arg1: i32, %arg2: memref<8192x256xf32, #tpu.memory_space<hbm>>, %arg3: memref<16384xi32, #tpu.memory_space<hbm>>, %arg4: memref<8192xf32, #tpu.memory_space<hbm>>, %arg5: memref<16384x256xf32, #tpu.memory_space<hbm>>, %arg6: memref<262144xf32, #tpu.memory_space<hbm>>, %arg7: memref<128xi32, #tpu.memory_space<vmem>>, %arg8: memref<128xi32, #tpu.memory_space<vmem>>, %arg9: memref<128xi32, #tpu.memory_space<vmem>>, %arg10: memref<128xi32, #tpu.memory_space<vmem>>, %arg11: memref<128x256xf32, #tpu.memory_space<vmem>>, %arg12: memref<128x256xf32, #tpu.memory_space<vmem>>, %arg13: memref<8192xf32, #tpu.memory_space<vmem>>, %arg14: memref<!tpu.dma_semaphore, #tpu.memory_space<semaphore_mem>>, %arg15: memref<!tpu.dma_semaphore, #tpu.memory_space<semaphore_mem>>) attributes {dimension_semantics = [#tpu.dimension_semantics<core_parallel>, #tpu.dimension_semantics<subcore_parallel>], iteration_bounds = array<i64: 2, 16>, scalar_prefetch = 0 : i64, scratch_operands = 9 : i64, tpu.core_type = #tpu.core_type<sc_vector_subcore>, window_params = [{transform_indices = #map}, {transform_indices = #map1}, {transform_indices = #map1}, {transform_indices = #map}, {transform_indices = #map1}]} {
    %mul3A = arith.constant 2 : i32
    %mul3A_0 = arith.muli %arg1, %mul3A : i32
    %add3A = arith.addi %mul3A_0, %arg0 : i32
    %mul3A_1 = arith.constant 512 : i32
    %mul3A_2 = arith.muli %add3A, %mul3A_1 : i32
    %add3A_3 = arith.constant 0 : i32
    %add3A_4 = arith.addi %mul3A_2, %add3A_3 : i32
    "tpu.region"() ({
      %run_scoped3A = tpu.sem_alloc : memref<!tpu.dma_semaphore, #tpu.memory_space<semaphore_mem>>
      %dma_start3A_139 = tpu.memref_slice %arg3[%add3A_4] : memref<16384xi32, #tpu.memory_space<hbm>> -> memref<128xi32, #tpu.memory_space<hbm>>
      %dma_start3A_140 = tpu.memref_slice %arg3[%add3A_4] : memref<16384xi32, #tpu.memory_space<hbm>> -> memref<128xi32, #tpu.memory_space<hbm>>
      tpu.enqueue_dma source(%dma_start3A_140 : memref<128xi32, #tpu.memory_space<hbm>>) target(%arg7 : memref<128xi32, #tpu.memory_space<vmem>>) target_semaphore(%run_scoped3A : memref<!tpu.dma_semaphore, #tpu.memory_space<semaphore_mem>>)
      %dma_wait3A_141 = tpu.memref_slice %arg3[%add3A_4] : memref<16384xi32, #tpu.memory_space<hbm>> -> memref<128xi32, #tpu.memory_space<hbm>>
      %dma_wait3A_142 = tpu.memref_slice %arg3[%add3A_4] : memref<16384xi32, #tpu.memory_space<hbm>> -> memref<128xi32, #tpu.memory_space<hbm>>
      tpu.wait_dma2 semaphore(%run_scoped3A : memref<!tpu.dma_semaphore, #tpu.memory_space<semaphore_mem>>) src(%dma_wait3A_142 : memref<128xi32, #tpu.memory_space<hbm>>) dst(%arg7 : memref<128xi32, #tpu.memory_space<vmem>>)
      tpu.yield
    }) : () -> ()
    %add3A_5 = arith.constant 128 : i32
    %add3A_6 = arith.addi %mul3A_2, %add3A_5 : i32
    "tpu.region"() ({
      %run_scoped3A = tpu.sem_alloc : memref<!tpu.dma_semaphore, #tpu.memory_space<semaphore_mem>>
      %dma_start3A_139 = tpu.memref_slice %arg3[%add3A_6] : memref<16384xi32, #tpu.memory_space<hbm>> -> memref<128xi32, #tpu.memory_space<hbm>>
      %dma_start3A_140 = tpu.memref_slice %arg3[%add3A_6] : memref<16384xi32, #tpu.memory_space<hbm>> -> memref<128xi32, #tpu.memory_space<hbm>>
      tpu.enqueue_dma source(%dma_start3A_140 : memref<128xi32, #tpu.memory_space<hbm>>) target(%arg8 : memref<128xi32, #tpu.memory_space<vmem>>) target_semaphore(%run_scoped3A : memref<!tpu.dma_semaphore, #tpu.memory_space<semaphore_mem>>)
      %dma_wait3A_141 = tpu.memref_slice %arg3[%add3A_6] : memref<16384xi32, #tpu.memory_space<hbm>> -> memref<128xi32, #tpu.memory_space<hbm>>
      %dma_wait3A_142 = tpu.memref_slice %arg3[%add3A_6] : memref<16384xi32, #tpu.memory_space<hbm>> -> memref<128xi32, #tpu.memory_space<hbm>>
      tpu.wait_dma2 semaphore(%run_scoped3A : memref<!tpu.dma_semaphore, #tpu.memory_space<semaphore_mem>>) src(%dma_wait3A_142 : memref<128xi32, #tpu.memory_space<hbm>>) dst(%arg8 : memref<128xi32, #tpu.memory_space<vmem>>)
      tpu.yield
    }) : () -> ()
    %add3A_7 = arith.constant 256 : i32
    %add3A_8 = arith.addi %mul3A_2, %add3A_7 : i32
    "tpu.region"() ({
      %run_scoped3A = tpu.sem_alloc : memref<!tpu.dma_semaphore, #tpu.memory_space<semaphore_mem>>
      %dma_start3A_139 = tpu.memref_slice %arg3[%add3A_8] : memref<16384xi32, #tpu.memory_space<hbm>> -> memref<128xi32, #tpu.memory_space<hbm>>
      %dma_start3A_140 = tpu.memref_slice %arg3[%add3A_8] : memref<16384xi32, #tpu.memory_space<hbm>> -> memref<128xi32, #tpu.memory_space<hbm>>
      tpu.enqueue_dma source(%dma_start3A_140 : memref<128xi32, #tpu.memory_space<hbm>>) target(%arg9 : memref<128xi32, #tpu.memory_space<vmem>>) target_semaphore(%run_scoped3A : memref<!tpu.dma_semaphore, #tpu.memory_space<semaphore_mem>>)
      %dma_wait3A_141 = tpu.memref_slice %arg3[%add3A_8] : memref<16384xi32, #tpu.memory_space<hbm>> -> memref<128xi32, #tpu.memory_space<hbm>>
      %dma_wait3A_142 = tpu.memref_slice %arg3[%add3A_8] : memref<16384xi32, #tpu.memory_space<hbm>> -> memref<128xi32, #tpu.memory_space<hbm>>
      tpu.wait_dma2 semaphore(%run_scoped3A : memref<!tpu.dma_semaphore, #tpu.memory_space<semaphore_mem>>) src(%dma_wait3A_142 : memref<128xi32, #tpu.memory_space<hbm>>) dst(%arg9 : memref<128xi32, #tpu.memory_space<vmem>>)
      tpu.yield
    }) : () -> ()
    %add3A_9 = arith.constant 384 : i32
    %add3A_10 = arith.addi %mul3A_2, %add3A_9 : i32
    "tpu.region"() ({
      %run_scoped3A = tpu.sem_alloc : memref<!tpu.dma_semaphore, #tpu.memory_space<semaphore_mem>>
      %dma_start3A_139 = tpu.memref_slice %arg3[%add3A_10] : memref<16384xi32, #tpu.memory_space<hbm>> -> memref<128xi32, #tpu.memory_space<hbm>>
      %dma_start3A_140 = tpu.memref_slice %arg3[%add3A_10] : memref<16384xi32, #tpu.memory_space<hbm>> -> memref<128xi32, #tpu.memory_space<hbm>>
      tpu.enqueue_dma source(%dma_start3A_140 : memref<128xi32, #tpu.memory_space<hbm>>) target(%arg10 : memref<128xi32, #tpu.memory_space<vmem>>) target_semaphore(%run_scoped3A : memref<!tpu.dma_semaphore, #tpu.memory_space<semaphore_mem>>)
      %dma_wait3A_141 = tpu.memref_slice %arg3[%add3A_10] : memref<16384xi32, #tpu.memory_space<hbm>> -> memref<128xi32, #tpu.memory_space<hbm>>
      %dma_wait3A_142 = tpu.memref_slice %arg3[%add3A_10] : memref<16384xi32, #tpu.memory_space<hbm>> -> memref<128xi32, #tpu.memory_space<hbm>>
      tpu.wait_dma2 semaphore(%run_scoped3A : memref<!tpu.dma_semaphore, #tpu.memory_space<semaphore_mem>>) src(%dma_wait3A_142 : memref<128xi32, #tpu.memory_space<hbm>>) dst(%arg10 : memref<128xi32, #tpu.memory_space<vmem>>)
      tpu.yield
    }) : () -> ()
    "tpu.region"() ({
      %run_scoped3A = tpu.sem_alloc : memref<!tpu.dma_semaphore, #tpu.memory_space<semaphore_mem>>
      tpu.enqueue_dma source(%arg4 : memref<8192xf32, #tpu.memory_space<hbm>>) target(%arg13 : memref<8192xf32, #tpu.memory_space<vmem>>) target_semaphore(%run_scoped3A : memref<!tpu.dma_semaphore, #tpu.memory_space<semaphore_mem>>)
      tpu.wait_dma2 semaphore(%run_scoped3A : memref<!tpu.dma_semaphore, #tpu.memory_space<semaphore_mem>>) src(%arg4 : memref<8192xf32, #tpu.memory_space<hbm>>) dst(%arg13 : memref<8192xf32, #tpu.memory_space<vmem>>)
      tpu.yield
    }) : () -> ()
    %dma_start3A = arith.constant 0 : i32
    %dma_start3A_11 = arith.constant 0 : i32
    %dma_start3A_12 = tpu.memref_slice %arg2[%dma_start3A, %dma_start3A_11] : memref<8192x256xf32, #tpu.memory_space<hbm>> -> memref<8192x256xf32, #tpu.memory_space<hbm>>
    tpu.enqueue_indirect_dma source(%dma_start3A_12 : memref<8192x256xf32, #tpu.memory_space<hbm>>) target(%arg11 : memref<128x256xf32, #tpu.memory_space<vmem>>) offsets(%arg7 : memref<128xi32, #tpu.memory_space<vmem>>) semaphore(%arg14 : memref<!tpu.dma_semaphore, #tpu.memory_space<semaphore_mem>>)
    %broadcast_in_dim3A = arith.constant 1.000000e+00 : f32
    %broadcast_in_dim3A_13 = vector.broadcast %broadcast_in_dim3A : f32 to vector<16xf32>
    %get3A = arith.constant 0 : index
    %get3A_14 = tpu.vector_load %arg7[%get3A] {strides = array<i32>} : memref<128xi32, #tpu.memory_space<vmem>>, vector<16xi32>,
    tpu.vector_store_idx %arg13[%get3A_14], %broadcast_in_dim3A_13 {add = true} : memref<8192xf32, #tpu.memory_space<vmem>>[vector<16xi32>], vector<16xf32>,
    %get3A_15 = arith.constant 16 : index
    %get3A_16 = tpu.vector_load %arg7[%get3A_15] {strides = array<i32>} : memref<128xi32, #tpu.memory_space<vmem>>, vector<16xi32>,
    tpu.vector_store_idx %arg13[%get3A_16], %broadcast_in_dim3A_13 {add = true} : memref<8192xf32, #tpu.memory_space<vmem>>[vector<16xi32>], vector<16xf32>,
    %get3A_17 = arith.constant 32 : index
    %get3A_18 = tpu.vector_load %arg7[%get3A_17] {strides = array<i32>} : memref<128xi32, #tpu.memory_space<vmem>>, vector<16xi32>,
    tpu.vector_store_idx %arg13[%get3A_18], %broadcast_in_dim3A_13 {add = true} : memref<8192xf32, #tpu.memory_space<vmem>>[vector<16xi32>], vector<16xf32>,
    %get3A_19 = arith.constant 48 : index
    %get3A_20 = tpu.vector_load %arg7[%get3A_19] {strides = array<i32>} : memref<128xi32, #tpu.memory_space<vmem>>, vector<16xi32>,
    tpu.vector_store_idx %arg13[%get3A_20], %broadcast_in_dim3A_13 {add = true} : memref<8192xf32, #tpu.memory_space<vmem>>[vector<16xi32>], vector<16xf32>,
    %get3A_21 = arith.constant 64 : index
    %get3A_22 = tpu.vector_load %arg7[%get3A_21] {strides = array<i32>} : memref<128xi32, #tpu.memory_space<vmem>>, vector<16xi32>,
    tpu.vector_store_idx %arg13[%get3A_22], %broadcast_in_dim3A_13 {add = true} : memref<8192xf32, #tpu.memory_space<vmem>>[vector<16xi32>], vector<16xf32>,
    %get3A_23 = arith.constant 80 : index
    %get3A_24 = tpu.vector_load %arg7[%get3A_23] {strides = array<i32>} : memref<128xi32, #tpu.memory_space<vmem>>, vector<16xi32>,
    tpu.vector_store_idx %arg13[%get3A_24], %broadcast_in_dim3A_13 {add = true} : memref<8192xf32, #tpu.memory_space<vmem>>[vector<16xi32>], vector<16xf32>,
    %get3A_25 = arith.constant 96 : index
    %get3A_26 = tpu.vector_load %arg7[%get3A_25] {strides = array<i32>} : memref<128xi32, #tpu.memory_space<vmem>>, vector<16xi32>,
    tpu.vector_store_idx %arg13[%get3A_26], %broadcast_in_dim3A_13 {add = true} : memref<8192xf32, #tpu.memory_space<vmem>>[vector<16xi32>], vector<16xf32>,
    %get3A_27 = arith.constant 112 : index
    %get3A_28 = tpu.vector_load %arg7[%get3A_27] {strides = array<i32>} : memref<128xi32, #tpu.memory_space<vmem>>, vector<16xi32>,
    tpu.vector_store_idx %arg13[%get3A_28], %broadcast_in_dim3A_13 {add = true} : memref<8192xf32, #tpu.memory_space<vmem>>[vector<16xi32>], vector<16xf32>,
    %get3A_29 = arith.constant 0 : index
    %get3A_30 = tpu.vector_load %arg8[%get3A_29] {strides = array<i32>} : memref<128xi32, #tpu.memory_space<vmem>>, vector<16xi32>,
    tpu.vector_store_idx %arg13[%get3A_30], %broadcast_in_dim3A_13 {add = true} : memref<8192xf32, #tpu.memory_space<vmem>>[vector<16xi32>], vector<16xf32>,
    %get3A_31 = arith.constant 16 : index
    %get3A_32 = tpu.vector_load %arg8[%get3A_31] {strides = array<i32>} : memref<128xi32, #tpu.memory_space<vmem>>, vector<16xi32>,
    tpu.vector_store_idx %arg13[%get3A_32], %broadcast_in_dim3A_13 {add = true} : memref<8192xf32, #tpu.memory_space<vmem>>[vector<16xi32>], vector<16xf32>,
    %get3A_33 = arith.constant 32 : index
    %get3A_34 = tpu.vector_load %arg8[%get3A_33] {strides = array<i32>} : memref<128xi32, #tpu.memory_space<vmem>>, vector<16xi32>,
    tpu.vector_store_idx %arg13[%get3A_34], %broadcast_in_dim3A_13 {add = true} : memref<8192xf32, #tpu.memory_space<vmem>>[vector<16xi32>], vector<16xf32>,
    %get3A_35 = arith.constant 48 : index
    %get3A_36 = tpu.vector_load %arg8[%get3A_35] {strides = array<i32>} : memref<128xi32, #tpu.memory_space<vmem>>, vector<16xi32>,
    tpu.vector_store_idx %arg13[%get3A_36], %broadcast_in_dim3A_13 {add = true} : memref<8192xf32, #tpu.memory_space<vmem>>[vector<16xi32>], vector<16xf32>,
    %get3A_37 = arith.constant 64 : index
    %get3A_38 = tpu.vector_load %arg8[%get3A_37] {strides = array<i32>} : memref<128xi32, #tpu.memory_space<vmem>>, vector<16xi32>,
    tpu.vector_store_idx %arg13[%get3A_38], %broadcast_in_dim3A_13 {add = true} : memref<8192xf32, #tpu.memory_space<vmem>>[vector<16xi32>], vector<16xf32>,
    %get3A_39 = arith.constant 80 : index
    %get3A_40 = tpu.vector_load %arg8[%get3A_39] {strides = array<i32>} : memref<128xi32, #tpu.memory_space<vmem>>, vector<16xi32>,
    tpu.vector_store_idx %arg13[%get3A_40], %broadcast_in_dim3A_13 {add = true} : memref<8192xf32, #tpu.memory_space<vmem>>[vector<16xi32>], vector<16xf32>,
    %get3A_41 = arith.constant 96 : index
    %get3A_42 = tpu.vector_load %arg8[%get3A_41] {strides = array<i32>} : memref<128xi32, #tpu.memory_space<vmem>>, vector<16xi32>,
    tpu.vector_store_idx %arg13[%get3A_42], %broadcast_in_dim3A_13 {add = true} : memref<8192xf32, #tpu.memory_space<vmem>>[vector<16xi32>], vector<16xf32>,
    %get3A_43 = arith.constant 112 : index
    %get3A_44 = tpu.vector_load %arg8[%get3A_43] {strides = array<i32>} : memref<128xi32, #tpu.memory_space<vmem>>, vector<16xi32>,
    tpu.vector_store_idx %arg13[%get3A_44], %broadcast_in_dim3A_13 {add = true} : memref<8192xf32, #tpu.memory_space<vmem>>[vector<16xi32>], vector<16xf32>,
    %get3A_45 = arith.constant 0 : index
    %get3A_46 = tpu.vector_load %arg9[%get3A_45] {strides = array<i32>} : memref<128xi32, #tpu.memory_space<vmem>>, vector<16xi32>,
    tpu.vector_store_idx %arg13[%get3A_46], %broadcast_in_dim3A_13 {add = true} : memref<8192xf32, #tpu.memory_space<vmem>>[vector<16xi32>], vector<16xf32>,
    %get3A_47 = arith.constant 16 : index
    %get3A_48 = tpu.vector_load %arg9[%get3A_47] {strides = array<i32>} : memref<128xi32, #tpu.memory_space<vmem>>, vector<16xi32>,
    tpu.vector_store_idx %arg13[%get3A_48], %broadcast_in_dim3A_13 {add = true} : memref<8192xf32, #tpu.memory_space<vmem>>[vector<16xi32>], vector<16xf32>,
    %get3A_49 = arith.constant 32 : index
    %get3A_50 = tpu.vector_load %arg9[%get3A_49] {strides = array<i32>} : memref<128xi32, #tpu.memory_space<vmem>>, vector<16xi32>,
    tpu.vector_store_idx %arg13[%get3A_50], %broadcast_in_dim3A_13 {add = true} : memref<8192xf32, #tpu.memory_space<vmem>>[vector<16xi32>], vector<16xf32>,
    %get3A_51 = arith.constant 48 : index
    %get3A_52 = tpu.vector_load %arg9[%get3A_51] {strides = array<i32>} : memref<128xi32, #tpu.memory_space<vmem>>, vector<16xi32>,
    tpu.vector_store_idx %arg13[%get3A_52], %broadcast_in_dim3A_13 {add = true} : memref<8192xf32, #tpu.memory_space<vmem>>[vector<16xi32>], vector<16xf32>,
    %get3A_53 = arith.constant 64 : index
    %get3A_54 = tpu.vector_load %arg9[%get3A_53] {strides = array<i32>} : memref<128xi32, #tpu.memory_space<vmem>>, vector<16xi32>,
    tpu.vector_store_idx %arg13[%get3A_54], %broadcast_in_dim3A_13 {add = true} : memref<8192xf32, #tpu.memory_space<vmem>>[vector<16xi32>], vector<16xf32>,
    %get3A_55 = arith.constant 80 : index
    %get3A_56 = tpu.vector_load %arg9[%get3A_55] {strides = array<i32>} : memref<128xi32, #tpu.memory_space<vmem>>, vector<16xi32>,
    tpu.vector_store_idx %arg13[%get3A_56], %broadcast_in_dim3A_13 {add = true} : memref<8192xf32, #tpu.memory_space<vmem>>[vector<16xi32>], vector<16xf32>,
    %get3A_57 = arith.constant 96 : index
    %get3A_58 = tpu.vector_load %arg9[%get3A_57] {strides = array<i32>} : memref<128xi32, #tpu.memory_space<vmem>>, vector<16xi32>,
    tpu.vector_store_idx %arg13[%get3A_58], %broadcast_in_dim3A_13 {add = true} : memref<8192xf32, #tpu.memory_space<vmem>>[vector<16xi32>], vector<16xf32>,
    %get3A_59 = arith.constant 112 : index
    %get3A_60 = tpu.vector_load %arg9[%get3A_59] {strides = array<i32>} : memref<128xi32, #tpu.memory_space<vmem>>, vector<16xi32>,
    tpu.vector_store_idx %arg13[%get3A_60], %broadcast_in_dim3A_13 {add = true} : memref<8192xf32, #tpu.memory_space<vmem>>[vector<16xi32>], vector<16xf32>,
    %get3A_61 = arith.constant 0 : index
    %get3A_62 = tpu.vector_load %arg10[%get3A_61] {strides = array<i32>} : memref<128xi32, #tpu.memory_space<vmem>>, vector<16xi32>,
    tpu.vector_store_idx %arg13[%get3A_62], %broadcast_in_dim3A_13 {add = true} : memref<8192xf32, #tpu.memory_space<vmem>>[vector<16xi32>], vector<16xf32>,
    %get3A_63 = arith.constant 16 : index
    %get3A_64 = tpu.vector_load %arg10[%get3A_63] {strides = array<i32>} : memref<128xi32, #tpu.memory_space<vmem>>, vector<16xi32>,
    tpu.vector_store_idx %arg13[%get3A_64], %broadcast_in_dim3A_13 {add = true} : memref<8192xf32, #tpu.memory_space<vmem>>[vector<16xi32>], vector<16xf32>,
    %get3A_65 = arith.constant 32 : index
    %get3A_66 = tpu.vector_load %arg10[%get3A_65] {strides = array<i32>} : memref<128xi32, #tpu.memory_space<vmem>>, vector<16xi32>,
    tpu.vector_store_idx %arg13[%get3A_66], %broadcast_in_dim3A_13 {add = true} : memref<8192xf32, #tpu.memory_space<vmem>>[vector<16xi32>], vector<16xf32>,
    %get3A_67 = arith.constant 48 : index
    %get3A_68 = tpu.vector_load %arg10[%get3A_67] {strides = array<i32>} : memref<128xi32, #tpu.memory_space<vmem>>, vector<16xi32>,
    tpu.vector_store_idx %arg13[%get3A_68], %broadcast_in_dim3A_13 {add = true} : memref<8192xf32, #tpu.memory_space<vmem>>[vector<16xi32>], vector<16xf32>,
    %get3A_69 = arith.constant 64 : index
    %get3A_70 = tpu.vector_load %arg10[%get3A_69] {strides = array<i32>} : memref<128xi32, #tpu.memory_space<vmem>>, vector<16xi32>,
    tpu.vector_store_idx %arg13[%get3A_70], %broadcast_in_dim3A_13 {add = true} : memref<8192xf32, #tpu.memory_space<vmem>>[vector<16xi32>], vector<16xf32>,
    %get3A_71 = arith.constant 80 : index
    %get3A_72 = tpu.vector_load %arg10[%get3A_71] {strides = array<i32>} : memref<128xi32, #tpu.memory_space<vmem>>, vector<16xi32>,
    tpu.vector_store_idx %arg13[%get3A_72], %broadcast_in_dim3A_13 {add = true} : memref<8192xf32, #tpu.memory_space<vmem>>[vector<16xi32>], vector<16xf32>,
    %get3A_73 = arith.constant 96 : index
    %get3A_74 = tpu.vector_load %arg10[%get3A_73] {strides = array<i32>} : memref<128xi32, #tpu.memory_space<vmem>>, vector<16xi32>,
    tpu.vector_store_idx %arg13[%get3A_74], %broadcast_in_dim3A_13 {add = true} : memref<8192xf32, #tpu.memory_space<vmem>>[vector<16xi32>], vector<16xf32>,
    %get3A_75 = arith.constant 112 : index
    %get3A_76 = tpu.vector_load %arg10[%get3A_75] {strides = array<i32>} : memref<128xi32, #tpu.memory_space<vmem>>, vector<16xi32>,
    tpu.vector_store_idx %arg13[%get3A_76], %broadcast_in_dim3A_13 {add = true} : memref<8192xf32, #tpu.memory_space<vmem>>[vector<16xi32>], vector<16xf32>,
    %dma_wait3A = arith.constant 0 : i32
    %dma_wait3A_77 = arith.constant 0 : i32
    %dma_wait3A_78 = tpu.memref_slice %arg2[%dma_wait3A, %dma_wait3A_77] : memref<8192x256xf32, #tpu.memory_space<hbm>> -> memref<8192x256xf32, #tpu.memory_space<hbm>>
    tpu.wait_indirect_dma semaphore(%arg14 : memref<!tpu.dma_semaphore, #tpu.memory_space<semaphore_mem>>) src(%dma_wait3A_78 : memref<8192x256xf32, #tpu.memory_space<hbm>>) dst(%arg11 : memref<128x256xf32, #tpu.memory_space<vmem>>)
    %add3A_79 = arith.constant 0 : i32
    %add3A_80 = arith.addi %mul3A_2, %add3A_79 : i32
    %dma_start3A_81 = arith.constant 0 : i32
    %dma_start3A_82 = tpu.memref_slice %arg5[%add3A_80, %dma_start3A_81] : memref<16384x256xf32, #tpu.memory_space<hbm>> -> memref<128x256xf32, #tpu.memory_space<hbm>>
    %dma_start3A_83 = arith.constant 0 : i32
    %dma_start3A_84 = tpu.memref_slice %arg5[%add3A_80, %dma_start3A_83] : memref<16384x256xf32, #tpu.memory_space<hbm>> -> memref<128x256xf32, #tpu.memory_space<hbm>>
    tpu.enqueue_dma source(%arg11 : memref<128x256xf32, #tpu.memory_space<vmem>>) target(%dma_start3A_84 : memref<128x256xf32, #tpu.memory_space<hbm>>) target_semaphore(%arg15 : memref<!tpu.dma_semaphore, #tpu.memory_space<semaphore_mem>>)
    %dma_start3A_85 = arith.constant 0 : i32
    %dma_start3A_86 = arith.constant 0 : i32
    %dma_start3A_87 = tpu.memref_slice %arg2[%dma_start3A_85, %dma_start3A_86] : memref<8192x256xf32, #tpu.memory_space<hbm>> -> memref<8192x256xf32, #tpu.memory_space<hbm>>
    tpu.enqueue_indirect_dma source(%dma_start3A_87 : memref<8192x256xf32, #tpu.memory_space<hbm>>) target(%arg12 : memref<128x256xf32, #tpu.memory_space<vmem>>) offsets(%arg8 : memref<128xi32, #tpu.memory_space<vmem>>) semaphore(%arg14 : memref<!tpu.dma_semaphore, #tpu.memory_space<semaphore_mem>>)
    %dma_wait3A_88 = arith.constant 0 : i32
    %dma_wait3A_89 = arith.constant 0 : i32
    %dma_wait3A_90 = tpu.memref_slice %arg2[%dma_wait3A_88, %dma_wait3A_89] : memref<8192x256xf32, #tpu.memory_space<hbm>> -> memref<8192x256xf32, #tpu.memory_space<hbm>>
    tpu.wait_indirect_dma semaphore(%arg14 : memref<!tpu.dma_semaphore, #tpu.memory_space<semaphore_mem>>) src(%dma_wait3A_90 : memref<8192x256xf32, #tpu.memory_space<hbm>>) dst(%arg12 : memref<128x256xf32, #tpu.memory_space<vmem>>)
    %dma_wait3A_91 = arith.constant 0 : i32
    %dma_wait3A_92 = tpu.memref_slice %arg5[%add3A_80, %dma_wait3A_91] : memref<16384x256xf32, #tpu.memory_space<hbm>> -> memref<128x256xf32, #tpu.memory_space<hbm>>
    %dma_wait3A_93 = arith.constant 0 : i32
    %dma_wait3A_94 = tpu.memref_slice %arg5[%add3A_80, %dma_wait3A_93] : memref<16384x256xf32, #tpu.memory_space<hbm>> -> memref<128x256xf32, #tpu.memory_space<hbm>>
    tpu.wait_dma2 semaphore(%arg15 : memref<!tpu.dma_semaphore, #tpu.memory_space<semaphore_mem>>) src(%arg11 : memref<128x256xf32, #tpu.memory_space<vmem>>) dst(%dma_wait3A_94 : memref<128x256xf32, #tpu.memory_space<hbm>>)
    %add3A_95 = arith.constant 128 : i32
    %add3A_96 = arith.addi %mul3A_2, %add3A_95 : i32
    %dma_start3A_97 = arith.constant 0 : i32
    %dma_start3A_98 = tpu.memref_slice %arg5[%add3A_96, %dma_start3A_97] : memref<16384x256xf32, #tpu.memory_space<hbm>> -> memref<128x256xf32, #tpu.memory_space<hbm>>
    %dma_start3A_99 = arith.constant 0 : i32
    %dma_start3A_100 = tpu.memref_slice %arg5[%add3A_96, %dma_start3A_99] : memref<16384x256xf32, #tpu.memory_space<hbm>> -> memref<128x256xf32, #tpu.memory_space<hbm>>
    tpu.enqueue_dma source(%arg12 : memref<128x256xf32, #tpu.memory_space<vmem>>) target(%dma_start3A_100 : memref<128x256xf32, #tpu.memory_space<hbm>>) target_semaphore(%arg15 : memref<!tpu.dma_semaphore, #tpu.memory_space<semaphore_mem>>)
    %dma_start3A_101 = arith.constant 0 : i32
    %dma_start3A_102 = arith.constant 0 : i32
    %dma_start3A_103 = tpu.memref_slice %arg2[%dma_start3A_101, %dma_start3A_102] : memref<8192x256xf32, #tpu.memory_space<hbm>> -> memref<8192x256xf32, #tpu.memory_space<hbm>>
    tpu.enqueue_indirect_dma source(%dma_start3A_103 : memref<8192x256xf32, #tpu.memory_space<hbm>>) target(%arg11 : memref<128x256xf32, #tpu.memory_space<vmem>>) offsets(%arg9 : memref<128xi32, #tpu.memory_space<vmem>>) semaphore(%arg14 : memref<!tpu.dma_semaphore, #tpu.memory_space<semaphore_mem>>)
    %dma_wait3A_104 = arith.constant 0 : i32
    %dma_wait3A_105 = arith.constant 0 : i32
    %dma_wait3A_106 = tpu.memref_slice %arg2[%dma_wait3A_104, %dma_wait3A_105] : memref<8192x256xf32, #tpu.memory_space<hbm>> -> memref<8192x256xf32, #tpu.memory_space<hbm>>
    tpu.wait_indirect_dma semaphore(%arg14 : memref<!tpu.dma_semaphore, #tpu.memory_space<semaphore_mem>>) src(%dma_wait3A_106 : memref<8192x256xf32, #tpu.memory_space<hbm>>) dst(%arg11 : memref<128x256xf32, #tpu.memory_space<vmem>>)
    %dma_wait3A_107 = arith.constant 0 : i32
    %dma_wait3A_108 = tpu.memref_slice %arg5[%add3A_96, %dma_wait3A_107] : memref<16384x256xf32, #tpu.memory_space<hbm>> -> memref<128x256xf32, #tpu.memory_space<hbm>>
    %dma_wait3A_109 = arith.constant 0 : i32
    %dma_wait3A_110 = tpu.memref_slice %arg5[%add3A_96, %dma_wait3A_109] : memref<16384x256xf32, #tpu.memory_space<hbm>> -> memref<128x256xf32, #tpu.memory_space<hbm>>
    tpu.wait_dma2 semaphore(%arg15 : memref<!tpu.dma_semaphore, #tpu.memory_space<semaphore_mem>>) src(%arg12 : memref<128x256xf32, #tpu.memory_space<vmem>>) dst(%dma_wait3A_110 : memref<128x256xf32, #tpu.memory_space<hbm>>)
    %add3A_111 = arith.constant 256 : i32
    %add3A_112 = arith.addi %mul3A_2, %add3A_111 : i32
    %dma_start3A_113 = arith.constant 0 : i32
    %dma_start3A_114 = tpu.memref_slice %arg5[%add3A_112, %dma_start3A_113] : memref<16384x256xf32, #tpu.memory_space<hbm>> -> memref<128x256xf32, #tpu.memory_space<hbm>>
    %dma_start3A_115 = arith.constant 0 : i32
    %dma_start3A_116 = tpu.memref_slice %arg5[%add3A_112, %dma_start3A_115] : memref<16384x256xf32, #tpu.memory_space<hbm>> -> memref<128x256xf32, #tpu.memory_space<hbm>>
    tpu.enqueue_dma source(%arg11 : memref<128x256xf32, #tpu.memory_space<vmem>>) target(%dma_start3A_116 : memref<128x256xf32, #tpu.memory_space<hbm>>) target_semaphore(%arg15 : memref<!tpu.dma_semaphore, #tpu.memory_space<semaphore_mem>>)
    %dma_start3A_117 = arith.constant 0 : i32
    %dma_start3A_118 = arith.constant 0 : i32
    %dma_start3A_119 = tpu.memref_slice %arg2[%dma_start3A_117, %dma_start3A_118] : memref<8192x256xf32, #tpu.memory_space<hbm>> -> memref<8192x256xf32, #tpu.memory_space<hbm>>
    tpu.enqueue_indirect_dma source(%dma_start3A_119 : memref<8192x256xf32, #tpu.memory_space<hbm>>) target(%arg12 : memref<128x256xf32, #tpu.memory_space<vmem>>) offsets(%arg10 : memref<128xi32, #tpu.memory_space<vmem>>) semaphore(%arg14 : memref<!tpu.dma_semaphore, #tpu.memory_space<semaphore_mem>>)
    %dma_wait3A_120 = arith.constant 0 : i32
    %dma_wait3A_121 = arith.constant 0 : i32
    %dma_wait3A_122 = tpu.memref_slice %arg2[%dma_wait3A_120, %dma_wait3A_121] : memref<8192x256xf32, #tpu.memory_space<hbm>> -> memref<8192x256xf32, #tpu.memory_space<hbm>>
    tpu.wait_indirect_dma semaphore(%arg14 : memref<!tpu.dma_semaphore, #tpu.memory_space<semaphore_mem>>) src(%dma_wait3A_122 : memref<8192x256xf32, #tpu.memory_space<hbm>>) dst(%arg12 : memref<128x256xf32, #tpu.memory_space<vmem>>)
    %dma_wait3A_123 = arith.constant 0 : i32
    %dma_wait3A_124 = tpu.memref_slice %arg5[%add3A_112, %dma_wait3A_123] : memref<16384x256xf32, #tpu.memory_space<hbm>> -> memref<128x256xf32, #tpu.memory_space<hbm>>
    %dma_wait3A_125 = arith.constant 0 : i32
    %dma_wait3A_126 = tpu.memref_slice %arg5[%add3A_112, %dma_wait3A_125] : memref<16384x256xf32, #tpu.memory_space<hbm>> -> memref<128x256xf32, #tpu.memory_space<hbm>>
    tpu.wait_dma2 semaphore(%arg15 : memref<!tpu.dma_semaphore, #tpu.memory_space<semaphore_mem>>) src(%arg11 : memref<128x256xf32, #tpu.memory_space<vmem>>) dst(%dma_wait3A_126 : memref<128x256xf32, #tpu.memory_space<hbm>>)
    %add3A_127 = arith.constant 384 : i32
    %add3A_128 = arith.addi %mul3A_2, %add3A_127 : i32
    %dma_start3A_129 = arith.constant 0 : i32
    %dma_start3A_130 = tpu.memref_slice %arg5[%add3A_128, %dma_start3A_129] : memref<16384x256xf32, #tpu.memory_space<hbm>> -> memref<128x256xf32, #tpu.memory_space<hbm>>
    %dma_start3A_131 = arith.constant 0 : i32
    %dma_start3A_132 = tpu.memref_slice %arg5[%add3A_128, %dma_start3A_131] : memref<16384x256xf32, #tpu.memory_space<hbm>> -> memref<128x256xf32, #tpu.memory_space<hbm>>
    tpu.enqueue_dma source(%arg12 : memref<128x256xf32, #tpu.memory_space<vmem>>) target(%dma_start3A_132 : memref<128x256xf32, #tpu.memory_space<hbm>>) target_semaphore(%arg15 : memref<!tpu.dma_semaphore, #tpu.memory_space<semaphore_mem>>)
    %mul3A_133 = arith.constant 8192 : i32
    %mul3A_134 = arith.muli %add3A, %mul3A_133 : i32
    "tpu.region"() ({
      %run_scoped3A = tpu.sem_alloc : memref<!tpu.dma_semaphore, #tpu.memory_space<semaphore_mem>>
      %dma_start3A_139 = tpu.memref_slice %arg6[%mul3A_134] : memref<262144xf32, #tpu.memory_space<hbm>> -> memref<8192xf32, #tpu.memory_space<hbm>>
      %dma_start3A_140 = tpu.memref_slice %arg6[%mul3A_134] : memref<262144xf32, #tpu.memory_space<hbm>> -> memref<8192xf32, #tpu.memory_space<hbm>>
      tpu.enqueue_dma source(%arg13 : memref<8192xf32, #tpu.memory_space<vmem>>) target(%dma_start3A_140 : memref<8192xf32, #tpu.memory_space<hbm>>) target_semaphore(%run_scoped3A : memref<!tpu.dma_semaphore, #tpu.memory_space<semaphore_mem>>)
      %dma_wait3A_141 = tpu.memref_slice %arg6[%mul3A_134] : memref<262144xf32, #tpu.memory_space<hbm>> -> memref<8192xf32, #tpu.memory_space<hbm>>
      %dma_wait3A_142 = tpu.memref_slice %arg6[%mul3A_134] : memref<262144xf32, #tpu.memory_space<hbm>> -> memref<8192xf32, #tpu.memory_space<hbm>>
      tpu.wait_dma2 semaphore(%run_scoped3A : memref<!tpu.dma_semaphore, #tpu.memory_space<semaphore_mem>>) src(%arg13 : memref<8192xf32, #tpu.memory_space<vmem>>) dst(%dma_wait3A_142 : memref<8192xf32, #tpu.memory_space<hbm>>)
      tpu.yield
    }) : () -> ()
    %dma_wait3A_135 = arith.constant 0 : i32
    %dma_wait3A_136 = tpu.memref_slice %arg5[%add3A_128, %dma_wait3A_135] : memref<16384x256xf32, #tpu.memory_space<hbm>> -> memref<128x256xf32, #tpu.memory_space<hbm>>
    %dma_wait3A_137 = arith.constant 0 : i32
    %dma_wait3A_138 = tpu.memref_slice %arg5[%add3A_128, %dma_wait3A_137] : memref<16384x256xf32, #tpu.memory_space<hbm>> -> memref<128x256xf32, #tpu.memory_space<hbm>>
    tpu.wait_dma2 semaphore(%arg15 : memref<!tpu.dma_semaphore, #tpu.memory_space<semaphore_mem>>) src(%arg12 : memref<128x256xf32, #tpu.memory_space<vmem>>) dst(%dma_wait3A_138 : memref<128x256xf32, #tpu.memory_space<hbm>>)
    return
  }
}

module attributes {stable_mosaic.version = 14 : i64} {
  func.func @_dist_argmin_body(%arg0: i32, %arg1: i32, %arg2: memref<4096x256xf32, #tpu.memory_space<vmem>>, %arg3: memref<512x256xf32, #tpu.memory_space<vmem>>, %arg4: memref<4096x512xf32, #tpu.memory_space<vmem>>, %arg5: memref<4096x1xi32, #tpu.memory_space<vmem>>, %arg6: memref<4096x1xf32, #tpu.memory_space<vmem>>, %arg7: memref<4096x1xi32, #tpu.memory_space<vmem>>, %arg8: memref<4096x512xf32, #tpu.memory_space<vmem>>) attributes {dimension_semantics = [#tpu.dimension_semantics<arbitrary>, #tpu.dimension_semantics<arbitrary>], iteration_bounds = array<i64: 4, 16>, scalar_prefetch = 0 : i64, scratch_operands = 3 : i64, tpu.core_type = #tpu.core_type<tc>, window_params = [{transform_indices = @transform_0, window_bounds = array<i64: 4096, 256>}, {transform_indices = @transform_1, window_bounds = array<i64: 512, 256>}, {transform_indices = @transform_2, window_bounds = array<i64: 4096, 512>}, {transform_indices = @transform_3, window_bounds = array<i64: 4096, 1>}]} {
    %eq3A = arith.constant 0 : i32
    %eq3A_0 = arith.cmpi eq, %arg0, %eq3A : i32
    %eq3A_1 = arith.constant 0 : i32
    %eq3A_2 = arith.cmpi eq, %arg1, %eq3A_1 : i32
    %and3A = arith.andi %eq3A_0, %eq3A_2 : i1
    %convert_element_type3A = arith.extui %and3A : i1 to i32
    %cond3A = arith.constant 0 : i32
    %cond3A_3 = arith.cmpi ne, %convert_element_type3A, %cond3A : i32
    scf.if %cond3A_3 {
      %iota3A = tpu.iota {dimensions = array<i32: 1>} : vector<4096x512xi32>
      %convert_element_type3A_39 = arith.sitofp %iota3A : vector<4096x512xi32> to vector<4096x512xf32>
      %swap3A_40 = arith.constant 0 : index
      %swap3A_41 = arith.constant 0 : index
      %swap3A_42 = vector.load %arg8[%swap3A_40, %swap3A_41] : memref<4096x512xf32, #tpu.memory_space<vmem>>, vector<4096x512xf32>
      tpu.vector_store %arg8[%swap3A_40, %swap3A_41], %convert_element_type3A_39 {strides = array<i32>} : memref<4096x512xf32, #tpu.memory_space<vmem>>, vector<4096x512xf32>,
    } else {
    }
    %get3A = arith.constant 0 : index
    %get3A_4 = arith.constant 0 : index
    %get3A_5 = vector.load %arg2[%get3A, %get3A_4] : memref<4096x256xf32, #tpu.memory_space<vmem>>, vector<4096x256xf32>
    %get3A_6 = arith.constant 0 : index
    %get3A_7 = arith.constant 0 : index
    %get3A_8 = vector.load %arg3[%get3A_6, %get3A_7] : memref<512x256xf32, #tpu.memory_space<vmem>>, vector<512x256xf32>
    %dot_general3A = arith.constant dense<0.000000e+00> : vector<4096x512xf32>
    %dot_general3A_9 = tpu.matmul %get3A_5, %get3A_8, %dot_general3A {dimension_numbers = #tpu.dot_dimension_numbers<[1], [1], [0], [0], [0, 0, 1, 0], [], []>, transpose_lhs_hint = false} : vector<4096x256xf32>, vector<512x256xf32>, vector<4096x512xf32> -> vector<4096x512xf32>
    %swap3A = arith.constant 0 : index
    %swap3A_10 = arith.constant 0 : index
    %swap3A_11 = vector.load %arg4[%swap3A, %swap3A_10] : memref<4096x512xf32, #tpu.memory_space<vmem>>, vector<4096x512xf32>
    tpu.vector_store %arg4[%swap3A, %swap3A_10], %dot_general3A_9 {strides = array<i32>} : memref<4096x512xf32, #tpu.memory_space<vmem>>, vector<4096x512xf32>,
    %reduce_min3A = arith.constant dense<0x7F800000> : vector<4096xf32>
    %reduce_min3A_12 = vector.multi_reduction <minimumf>, %dot_general3A_9, %reduce_min3A [1] : vector<4096x512xf32> to vector<4096xf32>
    %broadcast_in_dim3A = vector.shape_cast %reduce_min3A_12 : vector<4096xf32> to vector<4096x1xf32>
    %eq3A_13 = vector.broadcast %broadcast_in_dim3A : vector<4096x1xf32> to vector<4096x512xf32>
    %eq3A_14 = arith.cmpf oeq, %dot_general3A_9, %eq3A_13 : vector<4096x512xf32>
    %get3A_15 = arith.constant 0 : index
    %get3A_16 = arith.constant 0 : index
    %get3A_17 = vector.load %arg8[%get3A_15, %get3A_16] : memref<4096x512xf32, #tpu.memory_space<vmem>>, vector<4096x512xf32>
    %jit3A = arith.constant 8.192000e+03 : f32
    %broadcast_in_dim3A_18 = vector.broadcast %jit3A : f32 to vector<4096x512xf32>
    %select_n3A = arith.select %eq3A_14, %get3A_17, %broadcast_in_dim3A_18 : vector<4096x512xi1>, vector<4096x512xf32>
    %reduce_min3A_19 = arith.constant dense<0x7F800000> : vector<4096xf32>
    %reduce_min3A_20 = vector.multi_reduction <minimumf>, %select_n3A, %reduce_min3A_19 [1] : vector<4096x512xf32> to vector<4096xf32>
    %broadcast_in_dim3A_21 = vector.shape_cast %reduce_min3A_20 : vector<4096xf32> to vector<4096x1xf32>
    %convert_element_type3A_22 = arith.fptosi %broadcast_in_dim3A_21 : vector<4096x1xf32> to vector<4096x1xi32>
    %mul3A = arith.constant 512 : i32
    %mul3A_23 = arith.muli %arg1, %mul3A : i32
    %add3A = vector.broadcast %mul3A_23 : i32 to vector<4096x1xi32>
    %add3A_24 = arith.addi %convert_element_type3A_22, %add3A : vector<4096x1xi32>
    %eq3A_25 = arith.constant 0 : i32
    %eq3A_26 = arith.cmpi eq, %arg1, %eq3A_25 : i32
    %convert_element_type3A_27 = arith.extui %eq3A_26 : i1 to i32
    %cond3A_28 = arith.constant 0 : i32
    %cond3A_29 = arith.cmpi ne, %convert_element_type3A_27, %cond3A_28 : i32
    scf.if %cond3A_29 {
      %swap3A_39 = arith.constant 0 : index
      %swap3A_40 = arith.constant 0 : index
      %swap3A_41 = vector.load %arg6[%swap3A_39, %swap3A_40] : memref<4096x1xf32, #tpu.memory_space<vmem>>, vector<4096x1xf32>
      tpu.vector_store %arg6[%swap3A_39, %swap3A_40], %broadcast_in_dim3A {strides = array<i32>} : memref<4096x1xf32, #tpu.memory_space<vmem>>, vector<4096x1xf32>,
      %swap3A_42 = arith.constant 0 : index
      %swap3A_43 = arith.constant 0 : index
      %swap3A_44 = vector.load %arg7[%swap3A_42, %swap3A_43] : memref<4096x1xi32, #tpu.memory_space<vmem>>, vector<4096x1xi32>
      tpu.vector_store %arg7[%swap3A_42, %swap3A_43], %add3A_24 {strides = array<i32>} : memref<4096x1xi32, #tpu.memory_space<vmem>>, vector<4096x1xi32>,
    } else {
    }
    %gt3A = arith.constant 0 : i32
    %gt3A_30 = arith.cmpi sgt, %arg1, %gt3A : i32
    %convert_element_type3A_31 = arith.extui %gt3A_30 : i1 to i32
    %cond3A_32 = arith.constant 0 : i32
    %cond3A_33 = arith.cmpi ne, %convert_element_type3A_31, %cond3A_32 : i32
    scf.if %cond3A_33 {
      %get3A_39 = arith.constant 0 : index
      %get3A_40 = arith.constant 0 : index
      %get3A_41 = vector.load %arg6[%get3A_39, %get3A_40] : memref<4096x1xf32, #tpu.memory_space<vmem>>, vector<4096x1xf32>
      %lt3A = arith.cmpf olt, %broadcast_in_dim3A, %get3A_41 : vector<4096x1xf32>
      %get3A_42 = arith.constant 0 : index
      %get3A_43 = arith.constant 0 : index
      %get3A_44 = vector.load %arg6[%get3A_42, %get3A_43] : memref<4096x1xf32, #tpu.memory_space<vmem>>, vector<4096x1xf32>
      %select_n3A_45 = arith.select %lt3A, %broadcast_in_dim3A, %get3A_44 : vector<4096x1xi1>, vector<4096x1xf32>
      %swap3A_46 = arith.constant 0 : index
      %swap3A_47 = arith.constant 0 : index
      %swap3A_48 = vector.load %arg6[%swap3A_46, %swap3A_47] : memref<4096x1xf32, #tpu.memory_space<vmem>>, vector<4096x1xf32>
      tpu.vector_store %arg6[%swap3A_46, %swap3A_47], %select_n3A_45 {strides = array<i32>} : memref<4096x1xf32, #tpu.memory_space<vmem>>, vector<4096x1xf32>,
      %get3A_49 = arith.constant 0 : index
      %get3A_50 = arith.constant 0 : index
      %get3A_51 = vector.load %arg7[%get3A_49, %get3A_50] : memref<4096x1xi32, #tpu.memory_space<vmem>>, vector<4096x1xi32>
      %select_n3A_52 = arith.select %lt3A, %add3A_24, %get3A_51 : vector<4096x1xi1>, vector<4096x1xi32>
      %swap3A_53 = arith.constant 0 : index
      %swap3A_54 = arith.constant 0 : index
      %swap3A_55 = vector.load %arg7[%swap3A_53, %swap3A_54] : memref<4096x1xi32, #tpu.memory_space<vmem>>, vector<4096x1xi32>
      tpu.vector_store %arg7[%swap3A_53, %swap3A_54], %select_n3A_52 {strides = array<i32>} : memref<4096x1xi32, #tpu.memory_space<vmem>>, vector<4096x1xi32>,
    } else {
    }
    %eq3A_34 = arith.constant 15 : i32
    %eq3A_35 = arith.cmpi eq, %arg1, %eq3A_34 : i32
    %convert_element_type3A_36 = arith.extui %eq3A_35 : i1 to i32
    %cond3A_37 = arith.constant 0 : i32
    %cond3A_38 = arith.cmpi ne, %convert_element_type3A_36, %cond3A_37 : i32
    scf.if %cond3A_38 {
      %get3A_39 = arith.constant 0 : index
      %get3A_40 = arith.constant 0 : index
      %get3A_41 = vector.load %arg7[%get3A_39, %get3A_40] : memref<4096x1xi32, #tpu.memory_space<vmem>>, vector<4096x1xi32>
      %swap3A_42 = arith.constant 0 : index
      %swap3A_43 = arith.constant 0 : index
      %swap3A_44 = vector.load %arg5[%swap3A_42, %swap3A_43] : memref<4096x1xi32, #tpu.memory_space<vmem>>, vector<4096x1xi32>
      tpu.vector_store %arg5[%swap3A_42, %swap3A_43], %get3A_41 {strides = array<i32>} : memref<4096x1xi32, #tpu.memory_space<vmem>>, vector<4096x1xi32>,
    } else {
    }
    return
  }
  func.func @transform_0(%arg0: i32, %arg1: i32) -> (i32, i32) {
    %c0_i32 = arith.constant 0 : i32
    %c0_i32_0 = arith.constant 0 : i32
    return %arg0, %c0_i32 : i32, i32
  }
  func.func @transform_1(%arg0: i32, %arg1: i32) -> (i32, i32) {
    %c0_i32 = arith.constant 0 : i32
    %c0_i32_0 = arith.constant 0 : i32
    return %arg1, %c0_i32 : i32, i32
  }
  func.func @transform_2(%arg0: i32, %arg1: i32) -> (i32, i32) {
    %c0_i32 = arith.constant 0 : i32
    return %arg0, %arg1 : i32, i32
  }
  func.func @transform_3(%arg0: i32, %arg1: i32) -> (i32, i32) {
    %c0_i32 = arith.constant 0 : i32
    %c0_i32_0 = arith.constant 0 : i32
    return %arg0, %c0_i32 : i32, i32
  }
}

module attributes {stable_mosaic.version = 14 : i64} {
  func.func @_stats_body(%arg0: memref<32x8192xf32, #tpu.memory_space<vmem>>, %arg1: memref<1x8192xf32, #tpu.memory_space<vmem>>, %arg2: memref<1x1xf32, #tpu.memory_space<vmem>>) attributes {dimension_semantics = [], scalar_prefetch = 0 : i64, scratch_operands = 0 : i64, tpu.core_type = #tpu.core_type<tc>} {
    %get3A = arith.constant 0 : index
    %get3A_0 = arith.constant 0 : index
    %get3A_1 = vector.load %arg0[%get3A, %get3A_0] : memref<32x8192xf32, #tpu.memory_space<vmem>>, vector<32x8192xf32>
    %reduce_sum3A = arith.constant dense<0.000000e+00> : vector<8192xf32>
    %reduce_sum3A_2 = vector.multi_reduction <add>, %get3A_1, %reduce_sum3A [0] : vector<32x8192xf32> to vector<8192xf32>
    %reshape3A = vector.shape_cast %reduce_sum3A_2 : vector<8192xf32> to vector<1x8192xf32>
    %swap3A = arith.constant 0 : index
    %swap3A_3 = arith.constant 0 : index
    %swap3A_4 = vector.load %arg1[%swap3A, %swap3A_3] : memref<1x8192xf32, #tpu.memory_space<vmem>>, vector<1x8192xf32>
    tpu.vector_store %arg1[%swap3A, %swap3A_3], %reshape3A {strides = array<i32>} : memref<1x8192xf32, #tpu.memory_space<vmem>>, vector<1x8192xf32>,
    %mul3A = arith.constant 6.10351563E-5 : f32
    %mul3A_5 = vector.broadcast %mul3A : f32 to vector<8192xf32>
    %mul3A_6 = arith.mulf %reduce_sum3A_2, %mul3A_5 : vector<8192xf32>
    %add3A = arith.constant 1.000000e-07 : f32
    %add3A_7 = vector.broadcast %add3A : f32 to vector<8192xf32>
    %add3A_8 = arith.addf %mul3A_6, %add3A_7 : vector<8192xf32>
    %log3A = math.log %add3A_8 : vector<8192xf32>
    %mul3A_9 = arith.mulf %mul3A_6, %log3A : vector<8192xf32>
    %reduce_sum3A_10 = vector.shape_cast %mul3A_9 : vector<8192xf32> to vector<1x8192xf32>
    %reduce_sum3A_11 = arith.constant dense<0.000000e+00> : vector<1xf32>
    %reduce_sum3A_12 = vector.multi_reduction <add>, %reduce_sum3A_10, %reduce_sum3A_11 [1] : vector<1x8192xf32> to vector<1xf32>
    %reduce_sum3A_13 = vector.shape_cast %reduce_sum3A_12 : vector<1xf32> to vector<1x1xf32>
    %reduce_sum3A_14 = vector.extract %reduce_sum3A_13[0, 0] : f32 from vector<1x1xf32>
    %neg3A = arith.constant 0.000000e+00 : f32
    %neg3A_15 = arith.subf %neg3A, %reduce_sum3A_14 : f32
    %exp3A = math.exp %neg3A_15 : f32
    %reshape3A_16 = vector.broadcast %exp3A : f32 to vector<1x1xf32>
    %swap3A_17 = arith.constant 0 : index
    %swap3A_18 = arith.constant 0 : index
    %swap3A_19 = vector.load %arg2[%swap3A_17, %swap3A_18] : memref<1x1xf32, #tpu.memory_space<vmem>>, vector<1x1xf32>
    tpu.vector_store %arg2[%swap3A_17, %swap3A_18], %reshape3A_16 {strides = array<i32>} : memref<1x1xf32, #tpu.memory_space<vmem>>, vector<1x1xf32>,
    return
  }
}

</mosaic_0001>

<sc_bundles>
// kernel: kernel.5.cloned.1.call-start
scs
__scs_entry_jumppad:
0x0: {  	(pc) =	sbr.rel $0x88, $3  }
0x1: {  	(tag) =	ssettag $0x0;
	lr =	simm.s32 $0x1  }
0x2: {  	[smem:$0x3F9F] =	sst lr;
	_ =	strace $0xD0000000  }
0x3: {  	_ = 	snop  }
0x4: {  	_ = 	snop  }
0x5: {  	_ = 	snop  }
0x6: {  	_ = 	snop  }
0x7: {  	_ = 	snop  }
__scs_overlays_trampoline_lowered:
0x8: {  	[smem:$0x3FAE] =	sst s0  }
0x9: {  	[smem:$0x3FAF] =	sst s1  }
0xa: {  	[smem:$0x3FB0] =	sst s2  }
0xb: {  	[smem:$0x3FB1] =	sst s3  }
0xc: {  	[smem:$0x3FB2] =	sst s4  }
0xd: {  	[smem:$0x3FB3] =	sst s5  }
0xe: {  	[smem:$0x3FB4] =	sst s6  }
0xf: {  	[smem:$0x3FB5] =	sst s7  }
0x10: {  	[smem:$0x3FB6] =	sst s8  }
0x11: {  	[smem:$0x3FB7] =	sst s9;
	s0 =	simm.s32 @!p0 $0x0  }
0x12: {  	s1 =	sld [smem:$0x3F9D];
	s0 =	simm.s32 @p0 $0x1  }
0x13: {  	[smem:$0x3FB8] =	sst s0;
	s0 =	simm.s32 @!p1 $0x0  }
0x14: {  	s2 =	sld [smem:$0x3F9C];
	s0 =	simm.s32 @p1 $0x1  }
0x15: {  	[smem:$0x3FB9] =	sst s0;
	s0 =	simm.s32 @!p2 $0x0  }
0x16: {  	s3 =	sld [smem:$0x3FDB];
	s0 =	simm.s32 @p2 $0x1  }
0x17: {  	s4 =	simm.s32 $0x1BF5;
	[smem:$0x3FBB] =	sst s0  }
0x18: {  	s0 =	sld [smem:$0x3F9E];
	_ =	swait.ge [sflag:s4], $0x0  }
0x19: {  	s7 =	sld [smem:$0x3F9F]  }
0x1a: {  	s8 =	sadd.s32 $0xFFFFE003, lr  }
0x1b: {  	s9 =	sadd.s32 $0xFFFFFEF7, lr;
	s5 =	simm.s32 $0xFFFFFFFF;
	p2 =	slt.u32 s8, $0xFFFFF086  }
0x1c: {  	p1 =	slt.u32 s9, $0xF7A;
	s5 =	simm.s32 @!p2 $0x0  }
0x1d: {  	s5 =	simm.s32 @p1 $0x1;
	p0 =	seq.s32 s7, s2  }
0x1e: {  	s7 =	smul.u32 @!p0 $0xF7A, s2;
	p2 =	seq.s32 @!p0 s5, $0x0  }
0x1f: {  	s9 =	smul.u32 $0xF7A, s1;
	s8 =	simm.s32 @!p0 $0x1BF5;
	p2 =	por !p2, p0  }
0x20: {  	[sflag:s8] =	ssyncset.s32 @!p0 $0xFFFFF086;
	s6 =	sadd.s32 @!p0 s3, s7;
	s7 =	simm.s32 @!p0 $0x108  }
0x21: {  	s3 =	sadd.s32 s3, s9;
	s6 =	sadd.s32 @!p0 $0x88, s6;
	s7 =	simm.s32 @p2 $0x1082  }
0x22: {  	[simem:s7], [sflag:s8] =	dma.local @!p0 [hbm:s6], $0xF7A  }
0x23: {  	s9 =	sor.u32 $0xD0000000, s2;
	s6 =	simm.s32 $0x108;
	_ =	swait.ge @!p0 [sflag:s8], $0x0  }
0x24: {  	s3 =	sadd.s32 $0x88, s3;
	s6 =	simm.s32 @!p1 $0x1082;
	[sflag:s4] =	ssyncset.s32 $0xFFFFF086  }
0x25: {  	[simem:s6], [sflag:s4] =	dma.local [hbm:s3], $0xF7A  }
0x26: {  	[smem:$0x3F9F] =	sst s1;
	(tag) =	ssettag s2;
	_ =	strace s9  }
0x27: {  	s1 =	sld [smem:$0x3FAF]  }
0x28: {  	s2 =	sld [smem:$0x3FB0]  }
0x29: {  	s4 =	sld [smem:$0x3FB2]  }
0x2a: {  	p0 =	seq.s32 s5, $0x0;
	s5 =	sld [smem:$0x3FB3]  }
0x2b: {  	s6 =	sld [smem:$0x3FB4]  }
0x2c: {  	s7 =	sld [smem:$0x3FB5]  }
0x2d: {  	s3 =	simm.s32 $0x108;
	s8 =	sld [smem:$0x3FB6]  }
0x2e: {  	s3 =	simm.s32 @!p0 $0x1082;
	s9 =	sld [smem:$0x3FB7]  }
0x2f: {  	lr =	sadd.s32 s0, s3;
	s0 =	sld [smem:$0x3FAE]  }
0x30: {  	s3 =	sld [smem:$0x3FB1]  }
0x31: {  	[smem:$0x3FBA] =	sst s10  }
0x32: {  	s10 =	sld [smem:$0x3FB8];
	_ =	sdelay $0x3  }
0x33: {  	p0 =	seq.s32 s10, $0x1;
	s10 =	sld [smem:$0x3FBA];
	_ =	sdelay $0x3  }
0x34: {  	[smem:$0x3FBA] =	sst s10  }
0x35: {  	s10 =	sld [smem:$0x3FB9];
	_ =	sdelay $0x3  }
0x36: {  	p1 =	seq.s32 s10, $0x1;
	s10 =	sld [smem:$0x3FBA];
	_ =	sdelay $0x3  }
0x37: {  	[smem:$0x3FBA] =	sst s10  }
0x38: {  	s10 =	sld [smem:$0x3FBB]  }
0x39: {  	_ = 	snop;
	(pc) =	sbr.ind lr, $3  }
0x3a: {  	_ = 	snop  }
0x3b: {  	_ = 	snop  }
0x3c: {  	p2 =	seq.s32 s10, $0x1;
	s10 =	sld [smem:$0x3FBA]  }
0x3d: {  	_ =	shalt  }
0x3e: {  	_ =	shalt  }
0x3f: {  	_ =	shalt  }
0x40: {  	_ =	shalt  }
0x41: {  	_ =	shalt  }
0x42: {  	_ =	shalt  }
0x43: {  	_ =	shalt  }
0x44: {  	_ =	shalt  }
0x45: {  	_ =	shalt  }
0x46: {  	_ =	shalt  }
0x47: {  	_ =	shalt  }
0x48: {  	_ =	shalt  }
0x49: {  	_ =	shalt  }
0x4a: {  	_ =	shalt  }
0x4b: {  	_ =	shalt  }
0x4c: {  	_ =	shalt  }
0x4d: {  	_ =	shalt  }
0x4e: {  	_ =	shalt  }
0x4f: {  	_ =	shalt  }
0x50: {  	_ =	shalt  }
0x51: {  	_ =	shalt  }
0x52: {  	_ =	shalt  }
0x53: {  	_ =	shalt  }
0x54: {  	_ =	shalt  }
0x55: {  	_ =	shalt  }
0x56: {  	_ =	shalt  }
0x57: {  	_ =	shalt  }
0x58: {  	_ =	shalt  }
0x59: {  	_ =	shalt  }
0x5a: {  	_ =	shalt  }
0x5b: {  	_ =	shalt  }
0x5c: {  	_ =	shalt  }
0x5d: {  	_ =	shalt  }
0x5e: {  	_ =	shalt  }
0x5f: {  	_ =	shalt  }
0x60: {  	_ =	shalt  }
0x61: {  	_ =	shalt  }
0x62: {  	_ =	shalt  }
0x63: {  	_ =	shalt  }
0x64: {  	_ =	shalt  }
0x65: {  	_ =	shalt  }
0x66: {  	_ =	shalt  }
0x67: {  	_ =	shalt  }
0x68: {  	_ =	shalt  }
0x69: {  	_ =	shalt  }
0x6a: {  	_ =	shalt  }
0x6b: {  	_ =	shalt  }
0x6c: {  	_ =	shalt  }
0x6d: {  	_ =	shalt  }
0x6e: {  	_ =	shalt  }
0x6f: {  	_ =	shalt  }
0x70: {  	_ =	shalt  }
0x71: {  	_ =	shalt  }
0x72: {  	_ =	shalt  }
0x73: {  	_ =	shalt  }
0x74: {  	_ =	shalt  }
0x75: {  	_ =	shalt  }
0x76: {  	_ =	shalt  }
0x77: {  	_ =	shalt  }
0x78: {  	_ =	shalt  }
0x79: {  	_ =	shalt  }
0x7a: {  	_ =	shalt  }
0x7b: {  	_ =	shalt  }
0x7c: {  	_ =	shalt  }
0x7d: {  	_ =	shalt  }
0x7e: {  	_ =	shalt  }
0x7f: {  	_ =	shalt  }
0x80: {  	_ =	shalt  }
0x81: {  	_ =	shalt  }
0x82: {  	_ =	shalt  }
0x83: {  	_ =	shalt  }
0x84: {  	_ =	shalt  }
0x85: {  	_ =	shalt  }
0x86: {  	_ =	shalt  }
0x87: {  	_ =	shalt  }
.Lfunc_end0:
.L_simem_size_0:
called_computation_lowered:
.L_overlay_start_0:
0x88: {  	s2 =	sld [smem:$0x3FD9]  }
0x89: {  	s3 =	sld [smem:$0x3FFE];
	_ =	sdelay $0x1  }
0x8a: {  	s1 =	srdreg.scid  }
0x8b: {  	s0 =	sand.u32 $0x1, s1  }
0x8c: {  	s14 =	sshll.u32 s0, $0xA;
	s2 =	sadd.s32 s3, s2  }
0x8d: {  	s2 =	sadd.s32 s2, s14  }
0x8e: {  	[smem:$0x3FC6] =	sst s2  }
0x8f: {  	_ = 	snop  }
0x90: {  	s2 =	sld [smem:$0x3FD0];
	_ =	sdelay $0x2  }
0x91: {  	s4 =	simm.s32 $0xA;
	s5 =	simm.s32 $0x10;
	s15 =	sld [smem:$0x3FC8]  }
0x92: {  	[smem:s5], [sflag:s4] =	dma.local [hbm:s2], $0x1  }
0x93: {  	_ =	swait.eq [sflag:s4], $0x1  }
0x94: {  	[sflag:s4] =	ssyncset.done $0x0  }
0x95: {  	s16 =	sld [smem:$0x10];
	[sflag:s4] =	ssyncadd.s32 $0xFFFFFFFF  }
0x96: {  	s17 =	sld [smem:$0x13];
	(tm) =	ssettm $0x1  }
0x97: {  	s18 =	sld [smem:$0x3FFB];
	_ =	sdelay $0x3  }
0x98: {  	_ =	strace s18  }
0x99: {  	s5 =	sld [smem:$0x3FFC];
	_ =	sdelay $0x3  }
0x9a: {  	_ =	strace s5  }
0x9b: {  	s5 =	sld [smem:$0x3FFD];
	_ =	sdelay $0x3  }
0x9c: {  	_ =	strace s5  }
0x9d: {  	_ =	strace $0x8FFFFFFF  }
0x9e: {  	s19 =	sld [smem:$0x3FDB];
	_ =	sdelay $0x1  }
0x9f: {  	s6 =	simm.s32 $_scs_section_size  }
0xa0: {  	s7 =	simm.s32 $_size__tile_overlayer_lowered;
	s8 =	simm.s32 $_tile_overlayer_lowered  }
0xa1: {  	s22 =	simm.s32 $0x1BFF;
	s21 =	sshll.u32 s8, $0x1;
	s5 =	sadd.s32 s6, s19  }
0xa2: {  	s9 =	simm.s32 $0x0;
	s20 =	sshll.u32 s7, $0x1;
	s7 =	sadd.s32 s21, s5  }
0xa3: {  	[timem:s9], [sflag:s22] =	dma.local [hbm:s7], s20  }
0xa4: {  	_ =	swait.ge [sflag:s22], s20  }
0xa5: {  	s6 =	ssub.s32 $0x0, s20;
	[sflag:s22] =	ssyncset.done $0x0  }
0xa6: {  	[sflag:s22] =	ssyncadd.s32 s6;
	_ =	sdelay $0x1  }
0xa7: {  	s23 =	simm.s32 $0x1B8B  }
0xa8: {  	_ =	swait.ge [sflag:s23], $0x1  }
0xa9: {  	[sflag:s23] =	ssyncset.done $0x0  }
0xaa: {  	s25 =	simm.s32 $0x1B8E;
	s24 =	sld [smem:$0x3FFE];
	[sflag:s23] =	ssyncadd.s32 $0xFFFFFFFF  }
0xab: {  	s26 =	simm.s32 $execute0_lowered;
	[smem:$0x3FD2] =	sst s25  }
0xac: {  	s7 =	sshll.u32 s26, $0x1;
	_ =	strace $0x80000046;
	[dreg:$0x1] =	wrdreg $0xFFFFFFFF  }
0xad: {  	s28 =	simm.s32 $_size_execute0_lowered;
	s5 =	sadd.s32 s5, s7;
	[dreg:$0x0] =	wrdreg $0x0  }
0xae: {  	s7 =	sshll.u32 s28, $0x1;
	[dreg:$0x2] =	wrdreg s5  }
0xaf: {  	[dreg:$0x3] =	wrdreg s7  }
0xb0: {  	[dreg:$0x4] =	wrdreg $0xC0  }
0xb1: {  	_ =	task [dreg:s9], $0x5FFFF  }
0xb2: {  	[dreg:$0x1] =	wrdreg $0xFFFFFFFF  }
0xb3: {  	[dreg:$0x0] =	wrdreg $0x60  }
0xb4: {  	[dreg:$0x2] =	wrdreg s15  }
0xb5: {  	[dreg:$0x3] =	wrdreg s24  }
0xb6: {  	[dreg:$0x4] =	wrdreg s17  }
0xb7: {  	[dreg:$0x5] =	wrdreg s16  }
0xb8: {  	[dreg:$0x6] =	wrdreg $0x9  }
0xb9: {  	_ =	task.clear_ibuf [dreg:s9], $0x7FFFF;
	_ =	strace $0x90000046  }
0xba: {  	s29 =	simm.s32 $0x9;
	_ =	strace $0x80000048  }
0xbb: {  	_ =	swait.ge [sflag:s29], $0x1  }
0xbc: {  	[sflag:s29] =	ssyncadd.s32 $0xFFFFFFFF  }
0xbd: {  	_ =	strace $0x90000048  }
0xbe: {  	_ =	sfence  }
0xbf: {  	s30 =	sld [smem:$0x0];
	_ =	sdelay $0x2  }
0xc0: {  	s31 =	sshll.u32 s1, $0xD;
	s1 =	sshrl.u32 s1, $0x2  }
0xc1: {  	s3 =	sand.u32 $0x4000, s31;
	s1 =	sadd.s32 s1, s30  }
0xc2: {  	s0 =	sor.u32 s3, s0;
	s1 =	sshll.u32 s1, $0x11  }
0xc3: {  	s0 =	sor.u32 s1, s0  }
0xc4: {  	s0 =	sadd.s32 $0x8F2B, s0  }
0xc5: {  	[sflag:s0] =	ssyncadd.remote.s32 $0x1  }
0xc6: {  	_ =	sfence.sel $0xFFFF  }
0xc7: {  	[dreg:$0x0] =	wrdreg $0xFFFFFFFF;
	(pc) =	sbr.abs _section_cstart, $3  }
0xc8: {  	[dreg:$0x1] =	wrdreg $0xFFFFFFFF  }
0xc9: {  	_ =	task.clear_ibuf [dreg:s9], $0x2FFFF;
	_ =	strace $0x9FFFFFFF  }
0xca: {  	(tm) =	ssettm $0x7FFFFFFF  }
0xcb: {  	_ =	shalt  }
tec
execute0_lowered:
.L_overlay_start_1:
0x0: {  	(tag) =	ssettag $0x1  }
0x1: {  	s1 =	rddreg [dreg:$0x0]  }
0x2: {  	s0 =	rddreg [dreg:$0x1]  }
0x3: {  	s2 =	rddreg [dreg:$0x2]  }
0x4: {  	s26 =	rddreg [dreg:$0x3];
	s3 =	simm.s32 $0x0;
	s4 =	srdreg.scid  }
0x5: {  	s5 =	stileid.u32;
	s24 =	simm.s32 $0x80;
	s25 =	simm.s32 $0x100  }
0x6: {  	s28 =	simm.s32 $0x4A00;
	s29 =	simm.s32 $0x5200;
	[dreg:$0x5] =	wrdreg s2  }
0x7: {  	s30 =	simm.s32 $0x5A00;
	s31 =	simm.s32 $0x6200;
	[smem:$0x7FF] =	sst s3  }
0x8: {  	s4 =	sand.u32 $0x1, s4;
	s5 =	sshll.u32 s5, $0x1;
	s6 =	sadd.s32 $0xE00, s0  }
0x9: {  	_ =	strace $0x80000047;
	s5 =	sor.u32 s4, s5;
	[dreg:$0xf] =	wrdreg s24  }
0xa: {  	s4 =	ssub.s32 $0x2, s4;
	[dreg:$0x10] =	wrdreg s25;
	s24 =	simm.s32 $0x200  }
0xb: {  	s25 =	simm.s32 $0x3A00;
	s7 =	sshll.u32 s5, $0xA;
	s8 =	sshll.u32 s5, $0x9  }
0xc: {  	s9 =	sshll.u32 s5, $0x6;
	s5 =	sshll.u32 s5, $0xE;
	s22 =	sshrl.u32 s4, $0x1  }
0xd: {  	s0 =	sadd.s32 s7, s0;
	s12 =	sadd.s32 s6, s9;
	s13 =	sor.u32 $0x80, s8  }
0xe: {  	s10 =	sor.u32 $0x100, s8;
	s8 =	sor.u32 $0x180, s8;
	s5 =	sadd.s32 s26, s5  }
0xf: {  	s23 =	ssub.s32 s4, s22;
	s9 =	simm.s32 $0x8A00;
	s22 =	simm.s32 $0xFA00  }
0x10: {  	[dreg:$0x6] =	wrdreg s12;
	s14 =	sshrl.u32 s13, $0x3;
	s11 =	sshrl.u32 s10, $0x3  }
0x11: {  	s16 =	sshrl.u32 s8, $0x3;
	s17 =	sshll.u32 s13, $0x5;
	[dreg:$0xa] =	wrdreg s5  }
0x12: {  	s19 =	sshll.u32 s10, $0x5;
	s21 =	sshll.u32 s8, $0x5;
	s0 =	sadd.s32 $0x1600, s0  }
0x13: {  	s4 =	smax.u32 s23, $0x1;
	s5 =	simm.s32 $0x3;
	s23 =	simm.s32 $0x1  }
0x14: {  	s10 =	simm.s32 $0x9200;
	s7 =	sadd.s32 s6, s14;
	[dreg:$0xe] =	wrdreg s0  }
0x15: {  	s12 =	simm.s32 $0xA200;
	s15 =	sadd.s32 s6, s11;
	[dreg:$0x7] =	wrdreg s7  }
0x16: {  	s13 =	simm.s32 $0xAA00;
	s6 =	sadd.s32 s6, s16;
	[dreg:$0x8] =	wrdreg s15  }
0x17: {  	s8 =	simm.s32 $0xCA00;
	s18 =	sadd.s32 s26, s17;
	[dreg:$0x9] =	wrdreg s6  }
0x18: {  	s20 =	sadd.s32 s26, s19;
	s2 =	sadd.s32 s26, s21;
	[dreg:$0xb] =	wrdreg s18  }
0x19: {  	s26 =	simm.s32 $0x180;
	s11 =	simm.s32 $0x9A00;
	[dreg:$0xc] =	wrdreg s20  }
0x1a: {  	s14 =	simm.s32 $0xB200;
	s19 =	simm.s32 $0xE200;
	[dreg:$0xd] =	wrdreg s2  }
0x1b: {  	v2 =	vlaneseq.u32;
	s21 =	simm.s32 $0xF200;
	[dreg:$0x11] =	wrdreg s26;
	s6 =	simm.s32 $0x10200  }
0x1c: {  	vm0 =	vmmov $0xffff;
	v3 =	vimm.f32 $1.000000000e+00;
	v1 =	vshrl.u32 v2, $0x3;
	s15 =	simm.s32 $0x2;
	s26 =	simm.s32 $0x4200;
	s7 =	simm.s32 $0xBA00  }
0x1d: {  	v0 =	vand.u32 $0x7, v2;
	v2 =	vor.u32 $0x8, v2;
	v1 =	vmul.u32 $0x8, v1;
	s2 =	simm.s32 $0xC200;
	s18 =	simm.s32 $0xDA00;
	s20 =	simm.s32 $0xEA00  }
.LBB2_1:
0x1e: {  	s16 =	rddreg [dreg:$0x6]  }
0x1f: {  	[tilespmem:s3], [sflag:$0x3] =	stream.linear.gather [hbm4b:s16+s3], $0x80, $0x38;
	[tilespmem:$0x12200] =	vst v63  }
0x20: {  	_ =	swait.ge [sflag:s5], $0x80  }
0x21: {  	s0 =	rddreg [dreg:$0x7];
	[sflag:s5] =	ssyncset.done $0x0  }
0x22: {  	s17 =	rddreg [dreg:$0xf];
	[sflag:s5] =	ssyncadd.s32 $0xFFFFFF80  }
0x23: {  	[tilespmem:s17], [sflag:$0x3] =	stream.linear.gather [hbm4b:s0+s3], $0x80, $0x38;
	[tilespmem:$0x12200] =	vst v63  }
0x24: {  	_ =	swait.ge [sflag:s5], $0x80  }
0x25: {  	s17 =	rddreg [dreg:$0x8];
	[sflag:s5] =	ssyncset.done $0x0  }
0x26: {  	s0 =	rddreg [dreg:$0x10];
	[sflag:s5] =	ssyncadd.s32 $0xFFFFFF80  }
0x27: {  	[tilespmem:s0], [sflag:$0x3] =	stream.linear.gather [hbm4b:s17+s3], $0x80, $0x38;
	[tilespmem:$0x12200] =	vst v63  }
0x28: {  	_ =	swait.ge [sflag:s5], $0x80  }
0x29: {  	s17 =	rddreg [dreg:$0x9];
	[sflag:s5] =	ssyncset.done $0x0  }
0x2a: {  	s0 =	rddreg [dreg:$0x11];
	[sflag:s5] =	ssyncadd.s32 $0xFFFFFF80  }
0x2b: {  	[tilespmem:s0], [sflag:$0x3] =	stream.linear.gather [hbm4b:s17+s3], $0x80, $0x38;
	[tilespmem:$0x12200] =	vst v63  }
0x2c: {  	_ =	swait.ge [sflag:s5], $0x80  }
0x2d: {  	[sflag:s5] =	ssyncset.done $0x0  }
0x2e: {  	s0 =	rddreg [dreg:$0x5];
	[sflag:s5] =	ssyncadd.s32 $0xFFFFFF80  }
0x2f: {  	[tilespmem:s6], [sflag:$0x3] =	stream.linear.gather [hbm4b:s0+s3], $0x2000, $0x38;
	[tilespmem:$0x12200] =	vst v63  }
0x30: {  	_ =	swait.ge [sflag:s5], $0x2000  }
0x31: {  	[sflag:s5] =	ssyncset.done $0x0  }
0x32: {  	[sflag:s5] =	ssyncadd.s32 $0xFFFFE000  }
0x33: {  	v4 =	vld [tilespmem:$0x0];
	_ =	sdelay $0x4  }
0x34: {  	v5 =	vshll.u32 v4, $0x1  }
0x35: {  	v4 =	vand.u32 $0x7, v4;
	v5 =	vand.u32 $0xFFFFFFF0, v5  }
0x36: {  	v4 =	vor.u32 v4, v5  }
0x37: {  	v5 =	vperm.xlane v4, v0;
	_ =	sdelay $0x1  }
0x38: {  	v4 =	vperm.xlane v4, v2;
	v5 =	vadd.s32 v1, v5;
	_ =	sdelay $0x1  }
0x39: {  	v4 =	vadd.s32 v1, v4;
	_ =	sdelay $0x2  }
0x3a: {  	[tilespmem:s24], [sflag:$0x1] =	stream.indirect_vreg.gather [hbm4b:s1+s3], $0x80, v5, vm0, $0xb8;
	[tilespmem:$0x12200] =	vst v63  }
0x3b: {  	s0 =	simm.s32 $0xA00  }
0x3c: {  	[tilespmem:s0], [sflag:$0x1] =	stream.indirect_vreg.gather [hbm4b:s1+s3], $0x80, v4, vm0, $0xb8;
	[tilespmem:$0x12200] =	vst v63  }
0x3d: {  	v4 =	vld [tilespmem:$0x10];
	_ =	sdelay $0x4  }
0x3e: {  	v5 =	vshll.u32 v4, $0x1  }
0x3f: {  	v4 =	vand.u32 $0x7, v4;
	v5 =	vand.u32 $0xFFFFFFF0, v5  }
0x40: {  	v4 =	vor.u32 v4, v5  }
0x41: {  	v5 =	vperm.xlane v4, v0;
	_ =	sdelay $0x1  }
0x42: {  	v4 =	vperm.xlane v4, v2;
	v5 =	vadd.s32 v1, v5;
	_ =	sdelay $0x1  }
0x43: {  	v4 =	vadd.s32 v1, v4;
	_ =	sdelay $0x1  }
0x44: {  	s17 =	simm.s32 $0x1200  }
0x45: {  	[tilespmem:s17], [sflag:$0x1] =	stream.indirect_vreg.gather [hbm4b:s1+s3], $0x80, v5, vm0, $0xb8;
	[tilespmem:$0x12200] =	vst v63  }
0x46: {  	s16 =	simm.s32 $0x1A00  }
0x47: {  	[tilespmem:s16], [sflag:$0x1] =	stream.indirect_vreg.gather [hbm4b:s1+s3], $0x80, v4, vm0, $0xb8;
	[tilespmem:$0x12200] =	vst v63  }
0x48: {  	v4 =	vld [tilespmem:$0x20];
	_ =	sdelay $0x4  }
0x49: {  	v5 =	vshll.u32 v4, $0x1  }
0x4a: {  	v4 =	vand.u32 $0x7, v4;
	v5 =	vand.u32 $0xFFFFFFF0, v5  }
0x4b: {  	v4 =	vor.u32 v4, v5  }
0x4c: {  	v5 =	vperm.xlane v4, v0;
	_ =	sdelay $0x1  }
0x4d: {  	v4 =	vperm.xlane v4, v2;
	v5 =	vadd.s32 v1, v5;
	_ =	sdelay $0x1  }
0x4e: {  	v4 =	vadd.s32 v1, v4;
	_ =	sdelay $0x1  }
0x4f: {  	s17 =	simm.s32 $0x2200  }
0x50: {  	[tilespmem:s17], [sflag:$0x1] =	stream.indirect_vreg.gather [hbm4b:s1+s3], $0x80, v5, vm0, $0xb8;
	[tilespmem:$0x12200] =	vst v63  }
0x51: {  	s16 =	simm.s32 $0x2A00  }
0x52: {  	[tilespmem:s16], [sflag:$0x1] =	stream.indirect_vreg.gather [hbm4b:s1+s3], $0x80, v4, vm0, $0xb8;
	[tilespmem:$0x12200] =	vst v63  }
0x53: {  	v4 =	vld [tilespmem:$0x30];
	_ =	sdelay $0x4  }
0x54: {  	v5 =	vshll.u32 v4, $0x1  }
0x55: {  	v4 =	vand.u32 $0x7, v4;
	v5 =	vand.u32 $0xFFFFFFF0, v5  }
0x56: {  	v4 =	vor.u32 v4, v5  }
0x57: {  	v5 =	vperm.xlane v4, v0;
	_ =	sdelay $0x1  }
0x58: {  	v4 =	vperm.xlane v4, v2;
	v5 =	vadd.s32 v1, v5;
	_ =	sdelay $0x1  }
0x59: {  	v4 =	vadd.s32 v1, v4;
	_ =	sdelay $0x1  }
0x5a: {  	s17 =	simm.s32 $0x3200  }
0x5b: {  	[tilespmem:s17], [sflag:$0x1] =	stream.indirect_vreg.gather [hbm4b:s1+s3], $0x80, v5, vm0, $0xb8;
	[tilespmem:$0x12200] =	vst v63  }
0x5c: {  	_ = 	snop  }
0x5d: {  	[tilespmem:s25], [sflag:$0x1] =	stream.indirect_vreg.gather [hbm4b:s1+s3], $0x80, v4, vm0, $0xb8;
	[tilespmem:$0x12200] =	vst v63  }
0x5e: {  	v4 =	vld [tilespmem:$0x40];
	_ =	sdelay $0x4  }
0x5f: {  	v5 =	vshll.u32 v4, $0x1  }
0x60: {  	v4 =	vand.u32 $0x7, v4;
	v5 =	vand.u32 $0xFFFFFFF0, v5  }
0x61: {  	v4 =	vor.u32 v4, v5  }
0x62: {  	v5 =	vperm.xlane v4, v0;
	_ =	sdelay $0x1  }
0x63: {  	v4 =	vperm.xlane v4, v2;
	v5 =	vadd.s32 v1, v5;
	_ =	sdelay $0x1  }
0x64: {  	v4 =	vadd.s32 v1, v4;
	_ =	sdelay $0x2  }
0x65: {  	[tilespmem:s26], [sflag:$0x1] =	stream.indirect_vreg.gather [hbm4b:s1+s3], $0x80, v5, vm0, $0xb8;
	[tilespmem:$0x12200] =	vst v63  }
0x66: {  	_ = 	snop  }
0x67: {  	[tilespmem:s28], [sflag:$0x1] =	stream.indirect_vreg.gather [hbm4b:s1+s3], $0x80, v4, vm0, $0xb8;
	[tilespmem:$0x12200] =	vst v63  }
0x68: {  	v4 =	vld [tilespmem:$0x50];
	_ =	sdelay $0x4  }
0x69: {  	v5 =	vshll.u32 v4, $0x1  }
0x6a: {  	v4 =	vand.u32 $0x7, v4;
	v5 =	vand.u32 $0xFFFFFFF0, v5  }
0x6b: {  	v4 =	vor.u32 v4, v5  }
0x6c: {  	v5 =	vperm.xlane v4, v0;
	_ =	sdelay $0x1  }
0x6d: {  	v4 =	vperm.xlane v4, v2;
	v5 =	vadd.s32 v1, v5;
	_ =	sdelay $0x1  }
0x6e: {  	v4 =	vadd.s32 v1, v4;
	_ =	sdelay $0x2  }
0x6f: {  	[tilespmem:s29], [sflag:$0x1] =	stream.indirect_vreg.gather [hbm4b:s1+s3], $0x80, v5, vm0, $0xb8;
	[tilespmem:$0x12200] =	vst v63  }
0x70: {  	_ = 	snop  }
0x71: {  	[tilespmem:s30], [sflag:$0x1] =	stream.indirect_vreg.gather [hbm4b:s1+s3], $0x80, v4, vm0, $0xb8;
	[tilespmem:$0x12200] =	vst v63  }
0x72: {  	v4 =	vld [tilespmem:$0x60];
	_ =	sdelay $0x4  }
0x73: {  	v5 =	vshll.u32 v4, $0x1  }
0x74: {  	v4 =	vand.u32 $0x7, v4;
	v5 =	vand.u32 $0xFFFFFFF0, v5  }
0x75: {  	v4 =	vor.u32 v4, v5  }
0x76: {  	v5 =	vperm.xlane v4, v0;
	_ =	sdelay $0x1  }
0x77: {  	v4 =	vperm.xlane v4, v2;
	v5 =	vadd.s32 v1, v5;
	_ =	sdelay $0x1  }
0x78: {  	v4 =	vadd.s32 v1, v4;
	_ =	sdelay $0x2  }
0x79: {  	[tilespmem:s31], [sflag:$0x1] =	stream.indirect_vreg.gather [hbm4b:s1+s3], $0x80, v5, vm0, $0xb8;
	[tilespmem:$0x12200] =	vst v63  }
0x7a: {  	s16 =	simm.s32 $0x6A00  }
0x7b: {  	[tilespmem:s16], [sflag:$0x1] =	stream.indirect_vreg.gather [hbm4b:s1+s3], $0x80, v4, vm0, $0xb8;
	[tilespmem:$0x12200] =	vst v63  }
0x7c: {  	v4 =	vld [tilespmem:$0x70];
	_ =	sdelay $0x4  }
0x7d: {  	v5 =	vshll.u32 v4, $0x1  }
0x7e: {  	v4 =	vand.u32 $0x7, v4;
	v5 =	vand.u32 $0xFFFFFFF0, v5  }
0x7f: {  	v4 =	vor.u32 v4, v5  }
0x80: {  	v5 =	vperm.xlane v4, v0;
	_ =	sdelay $0x1  }
0x81: {  	v4 =	vperm.xlane v4, v2;
	v5 =	vadd.s32 v1, v5;
	_ =	sdelay $0x1  }
0x82: {  	v4 =	vadd.s32 v1, v4;
	_ =	sdelay $0x1  }
0x83: {  	s17 =	simm.s32 $0x7200  }
0x84: {  	[tilespmem:s17], [sflag:$0x1] =	stream.indirect_vreg.gather [hbm4b:s1+s3], $0x80, v5, vm0, $0xb8;
	[tilespmem:$0x12200] =	vst v63  }
0x85: {  	s16 =	simm.s32 $0x7A00  }
0x86: {  	[tilespmem:s16], [sflag:$0x1] =	stream.indirect_vreg.gather [hbm4b:s1+s3], $0x80, v4, vm0, $0xb8;
	[tilespmem:$0x12200] =	vst v63  }
0x87: {  	v4 =	vld [tilespmem:$0x0];
	_ =	sdelay $0x7  }
0x88: {  	[tilespmem:v4+s6+$0x0] =	vst.idx.add.f32.msk $0xffff, v3  }
0x89: {  	v4 =	vld [tilespmem:$0x10];
	_ =	sdelay $0x7  }
0x8a: {  	[tilespmem:v4+s6+$0x0] =	vst.idx.add.f32.msk $0xffff, v3  }
0x8b: {  	v4 =	vld [tilespmem:$0x20];
	_ =	sdelay $0x7  }
0x8c: {  	[tilespmem:v4+s6+$0x0] =	vst.idx.add.f32.msk $0xffff, v3  }
0x8d: {  	v4 =	vld [tilespmem:$0x30];
	_ =	sdelay $0x7  }
0x8e: {  	[tilespmem:v4+s6+$0x0] =	vst.idx.add.f32.msk $0xffff, v3  }
0x8f: {  	v4 =	vld [tilespmem:$0x40];
	_ =	sdelay $0x7  }
0x90: {  	[tilespmem:v4+s6+$0x0] =	vst.idx.add.f32.msk $0xffff, v3  }
0x91: {  	v4 =	vld [tilespmem:$0x50];
	_ =	sdelay $0x7  }
0x92: {  	[tilespmem:v4+s6+$0x0] =	vst.idx.add.f32.msk $0xffff, v3  }
0x93: {  	v4 =	vld [tilespmem:$0x60];
	_ =	sdelay $0x7  }
0x94: {  	[tilespmem:v4+s6+$0x0] =	vst.idx.add.f32.msk $0xffff, v3  }
0x95: {  	v4 =	vld [tilespmem:$0x70];
	_ =	sdelay $0x7  }
0x96: {  	[tilespmem:v4+s6+$0x0] =	vst.idx.add.f32.msk $0xffff, v3  }
0x97: {  	v4 =	vld [tilespmem:$0x80];
	_ =	sdelay $0x7  }
0x98: {  	[tilespmem:v4+s6+$0x0] =	vst.idx.add.f32.msk $0xffff, v3  }
0x99: {  	v4 =	vld [tilespmem:$0x90];
	_ =	sdelay $0x7  }
0x9a: {  	[tilespmem:v4+s6+$0x0] =	vst.idx.add.f32.msk $0xffff, v3  }
0x9b: {  	v4 =	vld [tilespmem:$0xA0];
	_ =	sdelay $0x7  }
0x9c: {  	[tilespmem:v4+s6+$0x0] =	vst.idx.add.f32.msk $0xffff, v3  }
0x9d: {  	v4 =	vld [tilespmem:$0xB0];
	_ =	sdelay $0x7  }
0x9e: {  	[tilespmem:v4+s6+$0x0] =	vst.idx.add.f32.msk $0xffff, v3  }
0x9f: {  	v4 =	vld [tilespmem:$0xC0];
	_ =	sdelay $0x7  }
0xa0: {  	[tilespmem:v4+s6+$0x0] =	vst.idx.add.f32.msk $0xffff, v3  }
0xa1: {  	v4 =	vld [tilespmem:$0xD0];
	_ =	sdelay $0x7  }
0xa2: {  	[tilespmem:v4+s6+$0x0] =	vst.idx.add.f32.msk $0xffff, v3  }
0xa3: {  	v4 =	vld [tilespmem:$0xE0];
	_ =	sdelay $0x7  }
0xa4: {  	[tilespmem:v4+s6+$0x0] =	vst.idx.add.f32.msk $0xffff, v3  }
0xa5: {  	v4 =	vld [tilespmem:$0xF0];
	_ =	sdelay $0x7  }
0xa6: {  	[tilespmem:v4+s6+$0x0] =	vst.idx.add.f32.msk $0xffff, v3  }
0xa7: {  	v4 =	vld [tilespmem:$0x100];
	_ =	sdelay $0x7  }
0xa8: {  	[tilespmem:v4+s6+$0x0] =	vst.idx.add.f32.msk $0xffff, v3  }
0xa9: {  	v4 =	vld [tilespmem:$0x110];
	_ =	sdelay $0x7  }
0xaa: {  	[tilespmem:v4+s6+$0x0] =	vst.idx.add.f32.msk $0xffff, v3  }
0xab: {  	v4 =	vld [tilespmem:$0x120];
	_ =	sdelay $0x7  }
0xac: {  	[tilespmem:v4+s6+$0x0] =	vst.idx.add.f32.msk $0xffff, v3  }
0xad: {  	v4 =	vld [tilespmem:$0x130];
	_ =	sdelay $0x7  }
0xae: {  	[tilespmem:v4+s6+$0x0] =	vst.idx.add.f32.msk $0xffff, v3  }
0xaf: {  	v4 =	vld [tilespmem:$0x140];
	_ =	sdelay $0x7  }
0xb0: {  	[tilespmem:v4+s6+$0x0] =	vst.idx.add.f32.msk $0xffff, v3  }
0xb1: {  	v4 =	vld [tilespmem:$0x150];
	_ =	sdelay $0x7  }
0xb2: {  	[tilespmem:v4+s6+$0x0] =	vst.idx.add.f32.msk $0xffff, v3  }
0xb3: {  	v4 =	vld [tilespmem:$0x160];
	_ =	sdelay $0x7  }
0xb4: {  	[tilespmem:v4+s6+$0x0] =	vst.idx.add.f32.msk $0xffff, v3  }
0xb5: {  	v4 =	vld [tilespmem:$0x170];
	_ =	sdelay $0x7  }
0xb6: {  	[tilespmem:v4+s6+$0x0] =	vst.idx.add.f32.msk $0xffff, v3  }
0xb7: {  	v4 =	vld [tilespmem:$0x180];
	_ =	sdelay $0x7  }
0xb8: {  	[tilespmem:v4+s6+$0x0] =	vst.idx.add.f32.msk $0xffff, v3  }
0xb9: {  	v4 =	vld [tilespmem:$0x190];
	_ =	sdelay $0x7  }
0xba: {  	[tilespmem:v4+s6+$0x0] =	vst.idx.add.f32.msk $0xffff, v3  }
0xbb: {  	v4 =	vld [tilespmem:$0x1A0];
	_ =	sdelay $0x7  }
0xbc: {  	[tilespmem:v4+s6+$0x0] =	vst.idx.add.f32.msk $0xffff, v3  }
0xbd: {  	v4 =	vld [tilespmem:$0x1B0];
	_ =	sdelay $0x7  }
0xbe: {  	[tilespmem:v4+s6+$0x0] =	vst.idx.add.f32.msk $0xffff, v3  }
0xbf: {  	v4 =	vld [tilespmem:$0x1C0];
	_ =	sdelay $0x7  }
0xc0: {  	[tilespmem:v4+s6+$0x0] =	vst.idx.add.f32.msk $0xffff, v3  }
0xc1: {  	v4 =	vld [tilespmem:$0x1D0];
	_ =	sdelay $0x7  }
0xc2: {  	[tilespmem:v4+s6+$0x0] =	vst.idx.add.f32.msk $0xffff, v3  }
0xc3: {  	v4 =	vld [tilespmem:$0x1E0];
	_ =	sdelay $0x7  }
0xc4: {  	[tilespmem:v4+s6+$0x0] =	vst.idx.add.f32.msk $0xffff, v3  }
0xc5: {  	v4 =	vld [tilespmem:$0x1F0];
	_ =	sdelay $0x7  }
0xc6: {  	[tilespmem:v4+s6+$0x0] =	vst.idx.add.f32.msk $0xffff, v3  }
0xc7: {  	_ =	swait.ge [sflag:s23], $0x8000  }
0xc8: {  	[sflag:s23] =	ssyncset.done $0x0  }
0xc9: {  	s17 =	rddreg [dreg:$0xa];
	[sflag:s23] =	ssyncadd.s32 $0xFFFF8000  }
0xca: {  	[hbm4b:s17+s3] =	stream.linear.scatter [tilespmem:s24], [sflag:$0x2], $0x8000, $0x38;
	[tilespmem:$0x12200] =	vst v63  }
0xcb: {  	v4 =	vld [tilespmem:$0x80];
	_ =	sdelay $0x4  }
0xcc: {  	v5 =	vshll.u32 v4, $0x1  }
0xcd: {  	v4 =	vand.u32 $0x7, v4;
	v5 =	vand.u32 $0xFFFFFFF0, v5  }
0xce: {  	v4 =	vor.u32 v4, v5  }
0xcf: {  	v5 =	vperm.xlane v4, v0;
	_ =	sdelay $0x1  }
0xd0: {  	v4 =	vperm.xlane v4, v2;
	v5 =	vadd.s32 v1, v5;
	_ =	sdelay $0x1  }
0xd1: {  	v4 =	vadd.s32 v1, v4;
	_ =	sdelay $0x1  }
0xd2: {  	s0 =	simm.s32 $0x8200  }
0xd3: {  	[tilespmem:s0], [sflag:$0x1] =	stream.indirect_vreg.gather [hbm4b:s1+s3], $0x80, v5, vm0, $0xb8;
	[tilespmem:$0x12200] =	vst v63  }
0xd4: {  	_ = 	snop  }
0xd5: {  	[tilespmem:s9], [sflag:$0x1] =	stream.indirect_vreg.gather [hbm4b:s1+s3], $0x80, v4, vm0, $0xb8;
	[tilespmem:$0x12200] =	vst v63  }
0xd6: {  	v4 =	vld [tilespmem:$0x90];
	_ =	sdelay $0x4  }
0xd7: {  	v5 =	vshll.u32 v4, $0x1  }
0xd8: {  	v4 =	vand.u32 $0x7, v4;
	v5 =	vand.u32 $0xFFFFFFF0, v5  }
0xd9: {  	v4 =	vor.u32 v4, v5  }
0xda: {  	v5 =	vperm.xlane v4, v0;
	_ =	sdelay $0x1  }
0xdb: {  	v4 =	vperm.xlane v4, v2;
	v5 =	vadd.s32 v1, v5;
	_ =	sdelay $0x1  }
0xdc: {  	v4 =	vadd.s32 v1, v4;
	_ =	sdelay $0x2  }
0xdd: {  	[tilespmem:s10], [sflag:$0x1] =	stream.indirect_vreg.gather [hbm4b:s1+s3], $0x80, v5, vm0, $0xb8;
	[tilespmem:$0x12200] =	vst v63  }
0xde: {  	_ = 	snop  }
0xdf: {  	[tilespmem:s11], [sflag:$0x1] =	stream.indirect_vreg.gather [hbm4b:s1+s3], $0x80, v4, vm0, $0xb8;
	[tilespmem:$0x12200] =	vst v63  }
0xe0: {  	v4 =	vld [tilespmem:$0xA0];
	_ =	sdelay $0x4  }
0xe1: {  	v5 =	vshll.u32 v4, $0x1  }
0xe2: {  	v4 =	vand.u32 $0x7, v4;
	v5 =	vand.u32 $0xFFFFFFF0, v5  }
0xe3: {  	v4 =	vor.u32 v4, v5  }
0xe4: {  	v5 =	vperm.xlane v4, v0;
	_ =	sdelay $0x1  }
0xe5: {  	v4 =	vperm.xlane v4, v2;
	v5 =	vadd.s32 v1, v5;
	_ =	sdelay $0x1  }
0xe6: {  	v4 =	vadd.s32 v1, v4;
	_ =	sdelay $0x2  }
0xe7: {  	[tilespmem:s12], [sflag:$0x1] =	stream.indirect_vreg.gather [hbm4b:s1+s3], $0x80, v5, vm0, $0xb8;
	[tilespmem:$0x12200] =	vst v63  }
0xe8: {  	_ = 	snop  }
0xe9: {  	[tilespmem:s13], [sflag:$0x1] =	stream.indirect_vreg.gather [hbm4b:s1+s3], $0x80, v4, vm0, $0xb8;
	[tilespmem:$0x12200] =	vst v63  }
0xea: {  	v4 =	vld [tilespmem:$0xB0];
	_ =	sdelay $0x4  }
0xeb: {  	v5 =	vshll.u32 v4, $0x1  }
0xec: {  	v4 =	vand.u32 $0x7, v4;
	v5 =	vand.u32 $0xFFFFFFF0, v5  }
0xed: {  	v4 =	vor.u32 v4, v5  }
0xee: {  	v5 =	vperm.xlane v4, v0;
	_ =	sdelay $0x1  }
0xef: {  	v4 =	vperm.xlane v4, v2;
	v5 =	vadd.s32 v1, v5;
	_ =	sdelay $0x1  }
0xf0: {  	v4 =	vadd.s32 v1, v4;
	_ =	sdelay $0x2  }
0xf1: {  	[tilespmem:s14], [sflag:$0x1] =	stream.indirect_vreg.gather [hbm4b:s1+s3], $0x80, v5, vm0, $0xb8;
	[tilespmem:$0x12200] =	vst v63  }
0xf2: {  	_ = 	snop  }
0xf3: {  	[tilespmem:s7], [sflag:$0x1] =	stream.indirect_vreg.gather [hbm4b:s1+s3], $0x80, v4, vm0, $0xb8;
	[tilespmem:$0x12200] =	vst v63  }
0xf4: {  	v4 =	vld [tilespmem:$0xC0];
	_ =	sdelay $0x4  }
0xf5: {  	v5 =	vshll.u32 v4, $0x1  }
0xf6: {  	v4 =	vand.u32 $0x7, v4;
	v5 =	vand.u32 $0xFFFFFFF0, v5  }
0xf7: {  	v4 =	vor.u32 v4, v5  }
0xf8: {  	v5 =	vperm.xlane v4, v0;
	_ =	sdelay $0x1  }
0xf9: {  	v4 =	vperm.xlane v4, v2;
	v5 =	vadd.s32 v1, v5;
	_ =	sdelay $0x1  }
0xfa: {  	v4 =	vadd.s32 v1, v4;
	_ =	sdelay $0x2  }
0xfb: {  	[tilespmem:s2], [sflag:$0x1] =	stream.indirect_vreg.gather [hbm4b:s1+s3], $0x80, v5, vm0, $0xb8;
	[tilespmem:$0x12200] =	vst v63  }
0xfc: {  	_ = 	snop  }
0xfd: {  	[tilespmem:s8], [sflag:$0x1] =	stream.indirect_vreg.gather [hbm4b:s1+s3], $0x80, v4, vm0, $0xb8;
	[tilespmem:$0x12200] =	vst v63  }
0xfe: {  	v4 =	vld [tilespmem:$0xD0];
	_ =	sdelay $0x4  }
0xff: {  	v5 =	vshll.u32 v4, $0x1  }
0x100: {  	v4 =	vand.u32 $0x7, v4;
	v5 =	vand.u32 $0xFFFFFFF0, v5  }
0x101: {  	v4 =	vor.u32 v4, v5  }
0x102: {  	v5 =	vperm.xlane v4, v0;
	_ =	sdelay $0x1  }
0x103: {  	v4 =	vperm.xlane v4, v2;
	v5 =	vadd.s32 v1, v5;
	_ =	sdelay $0x1  }
0x104: {  	v4 =	vadd.s32 v1, v4;
	_ =	sdelay $0x1  }
0x105: {  	s17 =	simm.s32 $0xD200  }
0x106: {  	[tilespmem:s17], [sflag:$0x1] =	stream.indirect_vreg.gather [hbm4b:s1+s3], $0x80, v5, vm0, $0xb8;
	[tilespmem:$0x12200] =	vst v63  }
0x107: {  	_ = 	snop  }
0x108: {  	[tilespmem:s18], [sflag:$0x1] =	stream.indirect_vreg.gather [hbm4b:s1+s3], $0x80, v4, vm0, $0xb8;
	[tilespmem:$0x12200] =	vst v63  }
0x109: {  	v4 =	vld [tilespmem:$0xE0];
	_ =	sdelay $0x4  }
0x10a: {  	v5 =	vshll.u32 v4, $0x1  }
0x10b: {  	v4 =	vand.u32 $0x7, v4;
	v5 =	vand.u32 $0xFFFFFFF0, v5  }
0x10c: {  	v4 =	vor.u32 v4, v5  }
0x10d: {  	v5 =	vperm.xlane v4, v0;
	_ =	sdelay $0x1  }
0x10e: {  	v4 =	vperm.xlane v4, v2;
	v5 =	vadd.s32 v1, v5;
	_ =	sdelay $0x1  }
0x10f: {  	v4 =	vadd.s32 v1, v4;
	_ =	sdelay $0x2  }
0x110: {  	[tilespmem:s19], [sflag:$0x1] =	stream.indirect_vreg.gather [hbm4b:s1+s3], $0x80, v5, vm0, $0xb8;
	[tilespmem:$0x12200] =	vst v63  }
0x111: {  	_ = 	snop  }
0x112: {  	[tilespmem:s20], [sflag:$0x1] =	stream.indirect_vreg.gather [hbm4b:s1+s3], $0x80, v4, vm0, $0xb8;
	[tilespmem:$0x12200] =	vst v63  }
0x113: {  	v4 =	vld [tilespmem:$0xF0];
	_ =	sdelay $0x4  }
0x114: {  	v5 =	vshll.u32 v4, $0x1  }
0x115: {  	v4 =	vand.u32 $0x7, v4;
	v5 =	vand.u32 $0xFFFFFFF0, v5  }
0x116: {  	v4 =	vor.u32 v4, v5  }
0x117: {  	v5 =	vperm.xlane v4, v0;
	_ =	sdelay $0x1  }
0x118: {  	v4 =	vperm.xlane v4, v2;
	v5 =	vadd.s32 v1, v5;
	_ =	sdelay $0x1  }
0x119: {  	v4 =	vadd.s32 v1, v4;
	_ =	sdelay $0x2  }
0x11a: {  	[tilespmem:s21], [sflag:$0x1] =	stream.indirect_vreg.gather [hbm4b:s1+s3], $0x80, v5, vm0, $0xb8;
	[tilespmem:$0x12200] =	vst v63  }
0x11b: {  	_ = 	snop  }
0x11c: {  	[tilespmem:s22], [sflag:$0x1] =	stream.indirect_vreg.gather [hbm4b:s1+s3], $0x80, v4, vm0, $0xb8;
	[tilespmem:$0x12200] =	vst v63  }
0x11d: {  	_ =	swait.ge [sflag:s23], $0x8000  }
0x11e: {  	[sflag:s23] =	ssyncset.done $0x0  }
0x11f: {  	[sflag:s23] =	ssyncadd.s32 $0xFFFF8000  }
0x120: {  	_ =	swait.ge [sflag:s15], $0x8000  }
0x121: {  	[sflag:s15] =	ssyncset.done $0x0  }
0x122: {  	s16 =	rddreg [dreg:$0xb];
	[sflag:s15] =	ssyncadd.s32 $0xFFFF8000  }
0x123: {  	[hbm4b:s16+s3] =	stream.linear.scatter [tilespmem:s0], [sflag:$0x2], $0x8000, $0x38;
	[tilespmem:$0x12200] =	vst v63  }
0x124: {  	v4 =	vld [tilespmem:$0x100];
	_ =	sdelay $0x4  }
0x125: {  	v5 =	vshll.u32 v4, $0x1  }
0x126: {  	v4 =	vand.u32 $0x7, v4;
	v5 =	vand.u32 $0xFFFFFFF0, v5  }
0x127: {  	v4 =	vor.u32 v4, v5  }
0x128: {  	v5 =	vperm.xlane v4, v0;
	_ =	sdelay $0x1  }
0x129: {  	v4 =	vperm.xlane v4, v2;
	v5 =	vadd.s32 v1, v5;
	_ =	sdelay $0x1  }
0x12a: {  	v4 =	vadd.s32 v1, v4;
	_ =	sdelay $0x2  }
0x12b: {  	[tilespmem:s24], [sflag:$0x1] =	stream.indirect_vreg.gather [hbm4b:s1+s3], $0x80, v5, vm0, $0xb8;
	[tilespmem:$0x12200] =	vst v63  }
0x12c: {  	s16 =	simm.s32 $0xA00  }
0x12d: {  	[tilespmem:s16], [sflag:$0x1] =	stream.indirect_vreg.gather [hbm4b:s1+s3], $0x80, v4, vm0, $0xb8;
	[tilespmem:$0x12200] =	vst v63  }
0x12e: {  	v4 =	vld [tilespmem:$0x110];
	_ =	sdelay $0x4  }
0x12f: {  	v5 =	vshll.u32 v4, $0x1  }
0x130: {  	v4 =	vand.u32 $0x7, v4;
	v5 =	vand.u32 $0xFFFFFFF0, v5  }
0x131: {  	v4 =	vor.u32 v4, v5  }
0x132: {  	v5 =	vperm.xlane v4, v0;
	_ =	sdelay $0x1  }
0x133: {  	v4 =	vperm.xlane v4, v2;
	v5 =	vadd.s32 v1, v5;
	_ =	sdelay $0x1  }
0x134: {  	v4 =	vadd.s32 v1, v4;
	_ =	sdelay $0x1  }
0x135: {  	s16 =	simm.s32 $0x1200  }
0x136: {  	[tilespmem:s16], [sflag:$0x1] =	stream.indirect_vreg.gather [hbm4b:s1+s3], $0x80, v5, vm0, $0xb8;
	[tilespmem:$0x12200] =	vst v63  }
0x137: {  	s16 =	simm.s32 $0x1A00  }
0x138: {  	[tilespmem:s16], [sflag:$0x1] =	stream.indirect_vreg.gather [hbm4b:s1+s3], $0x80, v4, vm0, $0xb8;
	[tilespmem:$0x12200] =	vst v63  }
0x139: {  	v4 =	vld [tilespmem:$0x120];
	_ =	sdelay $0x4  }
0x13a: {  	v5 =	vshll.u32 v4, $0x1  }
0x13b: {  	v4 =	vand.u32 $0x7, v4;
	v5 =	vand.u32 $0xFFFFFFF0, v5  }
0x13c: {  	v4 =	vor.u32 v4, v5  }
0x13d: {  	v5 =	vperm.xlane v4, v0;
	_ =	sdelay $0x1  }
0x13e: {  	v4 =	vperm.xlane v4, v2;
	v5 =	vadd.s32 v1, v5;
	_ =	sdelay $0x1  }
0x13f: {  	v4 =	vadd.s32 v1, v4;
	_ =	sdelay $0x1  }
0x140: {  	s16 =	simm.s32 $0x2200  }
0x141: {  	[tilespmem:s16], [sflag:$0x1] =	stream.indirect_vreg.gather [hbm4b:s1+s3], $0x80, v5, vm0, $0xb8;
	[tilespmem:$0x12200] =	vst v63  }
0x142: {  	s16 =	simm.s32 $0x2A00  }
0x143: {  	[tilespmem:s16], [sflag:$0x1] =	stream.indirect_vreg.gather [hbm4b:s1+s3], $0x80, v4, vm0, $0xb8;
	[tilespmem:$0x12200] =	vst v63  }
0x144: {  	v4 =	vld [tilespmem:$0x130];
	_ =	sdelay $0x4  }
0x145: {  	v5 =	vshll.u32 v4, $0x1  }
0x146: {  	v4 =	vand.u32 $0x7, v4;
	v5 =	vand.u32 $0xFFFFFFF0, v5  }
0x147: {  	v4 =	vor.u32 v4, v5  }
0x148: {  	v5 =	vperm.xlane v4, v0;
	_ =	sdelay $0x1  }
0x149: {  	v4 =	vperm.xlane v4, v2;
	v5 =	vadd.s32 v1, v5;
	_ =	sdelay $0x1  }
0x14a: {  	v4 =	vadd.s32 v1, v4;
	_ =	sdelay $0x1  }
0x14b: {  	s16 =	simm.s32 $0x3200  }
0x14c: {  	[tilespmem:s16], [sflag:$0x1] =	stream.indirect_vreg.gather [hbm4b:s1+s3], $0x80, v5, vm0, $0xb8;
	[tilespmem:$0x12200] =	vst v63  }
0x14d: {  	_ = 	snop  }
0x14e: {  	[tilespmem:s25], [sflag:$0x1] =	stream.indirect_vreg.gather [hbm4b:s1+s3], $0x80, v4, vm0, $0xb8;
	[tilespmem:$0x12200] =	vst v63  }
0x14f: {  	v4 =	vld [tilespmem:$0x140];
	_ =	sdelay $0x4  }
0x150: {  	v5 =	vshll.u32 v4, $0x1  }
0x151: {  	v4 =	vand.u32 $0x7, v4;
	v5 =	vand.u32 $0xFFFFFFF0, v5  }
0x152: {  	v4 =	vor.u32 v4, v5  }
0x153: {  	v5 =	vperm.xlane v4, v0;
	_ =	sdelay $0x1  }
0x154: {  	v4 =	vperm.xlane v4, v2;
	v5 =	vadd.s32 v1, v5;
	_ =	sdelay $0x1  }
0x155: {  	v4 =	vadd.s32 v1, v4;
	_ =	sdelay $0x2  }
0x156: {  	[tilespmem:s26], [sflag:$0x1] =	stream.indirect_vreg.gather [hbm4b:s1+s3], $0x80, v5, vm0, $0xb8;
	[tilespmem:$0x12200] =	vst v63  }
0x157: {  	_ = 	snop  }
0x158: {  	[tilespmem:s28], [sflag:$0x1] =	stream.indirect_vreg.gather [hbm4b:s1+s3], $0x80, v4, vm0, $0xb8;
	[tilespmem:$0x12200] =	vst v63  }
0x159: {  	v4 =	vld [tilespmem:$0x150];
	_ =	sdelay $0x4  }
0x15a: {  	v5 =	vshll.u32 v4, $0x1  }
0x15b: {  	v4 =	vand.u32 $0x7, v4;
	v5 =	vand.u32 $0xFFFFFFF0, v5  }
0x15c: {  	v4 =	vor.u32 v4, v5  }
0x15d: {  	v5 =	vperm.xlane v4, v0;
	_ =	sdelay $0x1  }
0x15e: {  	v4 =	vperm.xlane v4, v2;
	v5 =	vadd.s32 v1, v5;
	_ =	sdelay $0x1  }
0x15f: {  	v4 =	vadd.s32 v1, v4;
	_ =	sdelay $0x2  }
0x160: {  	[tilespmem:s29], [sflag:$0x1] =	stream.indirect_vreg.gather [hbm4b:s1+s3], $0x80, v5, vm0, $0xb8;
	[tilespmem:$0x12200] =	vst v63  }
0x161: {  	_ = 	snop  }
0x162: {  	[tilespmem:s30], [sflag:$0x1] =	stream.indirect_vreg.gather [hbm4b:s1+s3], $0x80, v4, vm0, $0xb8;
	[tilespmem:$0x12200] =	vst v63  }
0x163: {  	v4 =	vld [tilespmem:$0x160];
	_ =	sdelay $0x4  }
0x164: {  	v5 =	vshll.u32 v4, $0x1  }
0x165: {  	v4 =	vand.u32 $0x7, v4;
	v5 =	vand.u32 $0xFFFFFFF0, v5  }
0x166: {  	v4 =	vor.u32 v4, v5  }
0x167: {  	v5 =	vperm.xlane v4, v0;
	_ =	sdelay $0x1  }
0x168: {  	v4 =	vperm.xlane v4, v2;
	v5 =	vadd.s32 v1, v5;
	_ =	sdelay $0x1  }
0x169: {  	v4 =	vadd.s32 v1, v4;
	_ =	sdelay $0x2  }
0x16a: {  	[tilespmem:s31], [sflag:$0x1] =	stream.indirect_vreg.gather [hbm4b:s1+s3], $0x80, v5, vm0, $0xb8;
	[tilespmem:$0x12200] =	vst v63  }
0x16b: {  	s16 =	simm.s32 $0x6A00  }
0x16c: {  	[tilespmem:s16], [sflag:$0x1] =	stream.indirect_vreg.gather [hbm4b:s1+s3], $0x80, v4, vm0, $0xb8;
	[tilespmem:$0x12200] =	vst v63  }
0x16d: {  	v4 =	vld [tilespmem:$0x170];
	_ =	sdelay $0x4  }
0x16e: {  	v5 =	vshll.u32 v4, $0x1  }
0x16f: {  	v4 =	vand.u32 $0x7, v4;
	v5 =	vand.u32 $0xFFFFFFF0, v5  }
0x170: {  	v4 =	vor.u32 v4, v5  }
0x171: {  	v5 =	vperm.xlane v4, v0;
	_ =	sdelay $0x1  }
0x172: {  	v4 =	vperm.xlane v4, v2;
	v5 =	vadd.s32 v1, v5;
	_ =	sdelay $0x1  }
0x173: {  	v4 =	vadd.s32 v1, v4;
	_ =	sdelay $0x1  }
0x174: {  	s16 =	simm.s32 $0x7200  }
0x175: {  	[tilespmem:s16], [sflag:$0x1] =	stream.indirect_vreg.gather [hbm4b:s1+s3], $0x80, v5, vm0, $0xb8;
	[tilespmem:$0x12200] =	vst v63  }
0x176: {  	s16 =	simm.s32 $0x7A00  }
0x177: {  	[tilespmem:s16], [sflag:$0x1] =	stream.indirect_vreg.gather [hbm4b:s1+s3], $0x80, v4, vm0, $0xb8;
	[tilespmem:$0x12200] =	vst v63  }
0x178: {  	_ =	swait.ge [sflag:s23], $0x8000  }
0x179: {  	[sflag:s23] =	ssyncset.done $0x0  }
0x17a: {  	[sflag:s23] =	ssyncadd.s32 $0xFFFF8000  }
0x17b: {  	_ =	swait.ge [sflag:s15], $0x8000  }
0x17c: {  	[sflag:s15] =	ssyncset.done $0x0  }
0x17d: {  	s16 =	rddreg [dreg:$0xc];
	[sflag:s15] =	ssyncadd.s32 $0xFFFF8000  }
0x17e: {  	[hbm4b:s16+s3] =	stream.linear.scatter [tilespmem:s24], [sflag:$0x2], $0x8000, $0x38;
	[tilespmem:$0x12200] =	vst v63  }
0x17f: {  	v4 =	vld [tilespmem:$0x180];
	_ =	sdelay $0x4  }
0x180: {  	v5 =	vshll.u32 v4, $0x1  }
0x181: {  	v4 =	vand.u32 $0x7, v4;
	v5 =	vand.u32 $0xFFFFFFF0, v5  }
0x182: {  	v4 =	vor.u32 v4, v5  }
0x183: {  	v5 =	vperm.xlane v4, v0;
	_ =	sdelay $0x1  }
0x184: {  	v4 =	vperm.xlane v4, v2;
	v5 =	vadd.s32 v1, v5;
	_ =	sdelay $0x1  }
0x185: {  	v4 =	vadd.s32 v1, v4;
	_ =	sdelay $0x2  }
0x186: {  	[tilespmem:s0], [sflag:$0x1] =	stream.indirect_vreg.gather [hbm4b:s1+s3], $0x80, v5, vm0, $0xb8;
	[tilespmem:$0x12200] =	vst v63  }
0x187: {  	_ = 	snop  }
0x188: {  	[tilespmem:s9], [sflag:$0x1] =	stream.indirect_vreg.gather [hbm4b:s1+s3], $0x80, v4, vm0, $0xb8;
	[tilespmem:$0x12200] =	vst v63  }
0x189: {  	v4 =	vld [tilespmem:$0x190];
	_ =	sdelay $0x4  }
0x18a: {  	v5 =	vshll.u32 v4, $0x1  }
0x18b: {  	v4 =	vand.u32 $0x7, v4;
	v5 =	vand.u32 $0xFFFFFFF0, v5  }
0x18c: {  	v4 =	vor.u32 v4, v5  }
0x18d: {  	v5 =	vperm.xlane v4, v0;
	_ =	sdelay $0x1  }
0x18e: {  	v4 =	vperm.xlane v4, v2;
	v5 =	vadd.s32 v1, v5;
	_ =	sdelay $0x1  }
0x18f: {  	v4 =	vadd.s32 v1, v4;
	_ =	sdelay $0x2  }
0x190: {  	[tilespmem:s10], [sflag:$0x1] =	stream.indirect_vreg.gather [hbm4b:s1+s3], $0x80, v5, vm0, $0xb8;
	[tilespmem:$0x12200] =	vst v63  }
0x191: {  	_ = 	snop  }
0x192: {  	[tilespmem:s11], [sflag:$0x1] =	stream.indirect_vreg.gather [hbm4b:s1+s3], $0x80, v4, vm0, $0xb8;
	[tilespmem:$0x12200] =	vst v63  }
0x193: {  	v4 =	vld [tilespmem:$0x1A0];
	_ =	sdelay $0x4  }
0x194: {  	v5 =	vshll.u32 v4, $0x1  }
0x195: {  	v4 =	vand.u32 $0x7, v4;
	v5 =	vand.u32 $0xFFFFFFF0, v5  }
0x196: {  	v4 =	vor.u32 v4, v5  }
0x197: {  	v5 =	vperm.xlane v4, v0;
	_ =	sdelay $0x1  }
0x198: {  	v4 =	vperm.xlane v4, v2;
	v5 =	vadd.s32 v1, v5;
	_ =	sdelay $0x1  }
0x199: {  	v4 =	vadd.s32 v1, v4;
	_ =	sdelay $0x2  }
0x19a: {  	[tilespmem:s12], [sflag:$0x1] =	stream.indirect_vreg.gather [hbm4b:s1+s3], $0x80, v5, vm0, $0xb8;
	[tilespmem:$0x12200] =	vst v63  }
0x19b: {  	_ = 	snop  }
0x19c: {  	[tilespmem:s13], [sflag:$0x1] =	stream.indirect_vreg.gather [hbm4b:s1+s3], $0x80, v4, vm0, $0xb8;
	[tilespmem:$0x12200] =	vst v63  }
0x19d: {  	v4 =	vld [tilespmem:$0x1B0];
	_ =	sdelay $0x4  }
0x19e: {  	v5 =	vshll.u32 v4, $0x1  }
0x19f: {  	v4 =	vand.u32 $0x7, v4;
	v5 =	vand.u32 $0xFFFFFFF0, v5  }
0x1a0: {  	v4 =	vor.u32 v4, v5  }
0x1a1: {  	v5 =	vperm.xlane v4, v0;
	_ =	sdelay $0x1  }
0x1a2: {  	v4 =	vperm.xlane v4, v2;
	v5 =	vadd.s32 v1, v5;
	_ =	sdelay $0x1  }
0x1a3: {  	v4 =	vadd.s32 v1, v4;
	_ =	sdelay $0x2  }
0x1a4: {  	[tilespmem:s14], [sflag:$0x1] =	stream.indirect_vreg.gather [hbm4b:s1+s3], $0x80, v5, vm0, $0xb8;
	[tilespmem:$0x12200] =	vst v63  }
0x1a5: {  	_ = 	snop  }
0x1a6: {  	[tilespmem:s7], [sflag:$0x1] =	stream.indirect_vreg.gather [hbm4b:s1+s3], $0x80, v4, vm0, $0xb8;
	[tilespmem:$0x12200] =	vst v63  }
0x1a7: {  	v4 =	vld [tilespmem:$0x1C0];
	_ =	sdelay $0x4  }
0x1a8: {  	v5 =	vshll.u32 v4, $0x1  }
0x1a9: {  	v4 =	vand.u32 $0x7, v4;
	v5 =	vand.u32 $0xFFFFFFF0, v5  }
0x1aa: {  	v4 =	vor.u32 v4, v5  }
0x1ab: {  	v5 =	vperm.xlane v4, v0;
	_ =	sdelay $0x1  }
0x1ac: {  	v4 =	vperm.xlane v4, v2;
	v5 =	vadd.s32 v1, v5;
	_ =	sdelay $0x1  }
0x1ad: {  	v4 =	vadd.s32 v1, v4;
	_ =	sdelay $0x2  }
0x1ae: {  	[tilespmem:s2], [sflag:$0x1] =	stream.indirect_vreg.gather [hbm4b:s1+s3], $0x80, v5, vm0, $0xb8;
	[tilespmem:$0x12200] =	vst v63  }
0x1af: {  	_ = 	snop  }
0x1b0: {  	[tilespmem:s8], [sflag:$0x1] =	stream.indirect_vreg.gather [hbm4b:s1+s3], $0x80, v4, vm0, $0xb8;
	[tilespmem:$0x12200] =	vst v63  }
0x1b1: {  	v4 =	vld [tilespmem:$0x1D0];
	_ =	sdelay $0x4  }
0x1b2: {  	v5 =	vshll.u32 v4, $0x1  }
0x1b3: {  	v4 =	vand.u32 $0x7, v4;
	v5 =	vand.u32 $0xFFFFFFF0, v5  }
0x1b4: {  	v4 =	vor.u32 v4, v5  }
0x1b5: {  	v5 =	vperm.xlane v4, v0;
	_ =	sdelay $0x1  }
0x1b6: {  	v4 =	vperm.xlane v4, v2;
	v5 =	vadd.s32 v1, v5;
	_ =	sdelay $0x1  }
0x1b7: {  	v4 =	vadd.s32 v1, v4;
	_ =	sdelay $0x2  }
0x1b8: {  	[tilespmem:s17], [sflag:$0x1] =	stream.indirect_vreg.gather [hbm4b:s1+s3], $0x80, v5, vm0, $0xb8;
	[tilespmem:$0x12200] =	vst v63  }
0x1b9: {  	_ = 	snop  }
0x1ba: {  	[tilespmem:s18], [sflag:$0x1] =	stream.indirect_vreg.gather [hbm4b:s1+s3], $0x80, v4, vm0, $0xb8;
	[tilespmem:$0x12200] =	vst v63  }
0x1bb: {  	v4 =	vld [tilespmem:$0x1E0];
	_ =	sdelay $0x4  }
0x1bc: {  	v5 =	vshll.u32 v4, $0x1  }
0x1bd: {  	v4 =	vand.u32 $0x7, v4;
	v5 =	vand.u32 $0xFFFFFFF0, v5  }
0x1be: {  	v4 =	vor.u32 v4, v5  }
0x1bf: {  	v5 =	vperm.xlane v4, v0;
	_ =	sdelay $0x1  }
0x1c0: {  	v4 =	vperm.xlane v4, v2;
	v5 =	vadd.s32 v1, v5;
	_ =	sdelay $0x1  }
0x1c1: {  	v4 =	vadd.s32 v1, v4;
	_ =	sdelay $0x2  }
0x1c2: {  	[tilespmem:s19], [sflag:$0x1] =	stream.indirect_vreg.gather [hbm4b:s1+s3], $0x80, v5, vm0, $0xb8;
	[tilespmem:$0x12200] =	vst v63  }
0x1c3: {  	_ = 	snop  }
0x1c4: {  	[tilespmem:s20], [sflag:$0x1] =	stream.indirect_vreg.gather [hbm4b:s1+s3], $0x80, v4, vm0, $0xb8;
	[tilespmem:$0x12200] =	vst v63  }
0x1c5: {  	v4 =	vld [tilespmem:$0x1F0];
	_ =	sdelay $0x4  }
0x1c6: {  	v5 =	vshll.u32 v4, $0x1  }
0x1c7: {  	v4 =	vand.u32 $0x7, v4;
	v5 =	vand.u32 $0xFFFFFFF0, v5  }
0x1c8: {  	v4 =	vor.u32 v4, v5  }
0x1c9: {  	v5 =	vperm.xlane v4, v0;
	_ =	sdelay $0x1  }
0x1ca: {  	v4 =	vperm.xlane v4, v2;
	v5 =	vadd.s32 v1, v5;
	_ =	sdelay $0x1  }
0x1cb: {  	v4 =	vadd.s32 v1, v4;
	_ =	sdelay $0x2  }
0x1cc: {  	[tilespmem:s21], [sflag:$0x1] =	stream.indirect_vreg.gather [hbm4b:s1+s3], $0x80, v5, vm0, $0xb8;
	[tilespmem:$0x12200] =	vst v63  }
0x1cd: {  	_ = 	snop  }
0x1ce: {  	[tilespmem:s22], [sflag:$0x1] =	stream.indirect_vreg.gather [hbm4b:s1+s3], $0x80, v4, vm0, $0xb8;
	[tilespmem:$0x12200] =	vst v63  }
0x1cf: {  	_ =	swait.ge [sflag:s23], $0x8000  }
0x1d0: {  	[sflag:s23] =	ssyncset.done $0x0  }
0x1d1: {  	[sflag:s23] =	ssyncadd.s32 $0xFFFF8000  }
0x1d2: {  	_ =	swait.ge [sflag:s15], $0x8000  }
0x1d3: {  	[sflag:s15] =	ssyncset.done $0x0  }
0x1d4: {  	s16 =	rddreg [dreg:$0xd];
	[sflag:s15] =	ssyncadd.s32 $0xFFFF8000  }
0x1d5: {  	[hbm4b:s16+s3] =	stream.linear.scatter [tilespmem:s0], [sflag:$0x2], $0x8000, $0x38;
	[tilespmem:$0x12200] =	vst v63  }
0x1d6: {  	s17 =	rddreg [dreg:$0xe]  }
0x1d7: {  	[hbm4b:s17+s3] =	stream.linear.scatter [tilespmem:s6], [sflag:$0x3], $0x2000, $0x38;
	[tilespmem:$0x12200] =	vst v63  }
0x1d8: {  	p0 =	sne.s32 s4, $0x1;
	_ =	swait.ge [sflag:s5], $0x2000  }
.Ltmp0:
0x1d9: {  	[sflag:s5] =	ssyncset.done $0x0;
	(pc) =	sbr.rel @p0 .LBB2_1-.Ltmp0, $4  }
0x1da: {  	[sflag:s5] =	ssyncadd.s32 $0xFFFFE000  }
0x1db: {  	_ =	swait.ge [sflag:s15], $0x8000  }
0x1dc: {  	[sflag:s15] =	ssyncset.done $0x0  }
0x1dd: {  	s4 =	sadd.s32 $0xFFFFFFFF, s4;
	[sflag:s15] =	ssyncadd.s32 $0xFFFF8000  }
0x1de: {  	_ =	sfence.sel $0x180000  }
0x1df: {  	[bflag:$0x0] =	sbarrier.arrive $0xFFFF  }
0x1e0: {  	_ =	strace $0x90000047  }
0x1e1: {  	s0 =	stileid.u32;
	[bflag:$0x2] =	sbarrier.arrive $0xFFFF  }
0x1e2: {  	p0 =	sne.s32 s0, $0x0;
	s0 =	rddreg [dreg:$0x4]  }
0x1e3: {  	s0 =	sadd.s32 @!p0 $0x100000, s0  }
0x1e4: {  	[sflag:s0] =	ssyncadd.tile.s32 @!p0 $0x1;
	_ =	shalt  }
.Lfunc_end2:
_tile_overlayer_lowered:
.L_overlay_start_2:
0x1e5: {  	(tag) =	ssettag $0x2  }
0x1e6: {  	s0 =	rddreg [dreg:$0x0];
	s2 =	stileid.u32  }
0x1e7: {  	s1 =	rddreg [dreg:$0x1];
	p0 =	sne.s32 s2, $0x0  }
0x1e8: {  	s3 =	rddreg [dreg:$0x2];
	[bflag:$0x3] =	sbarrier.arrive $0xFFFF;
	s2 =	simm.s32 @!p0 $0x1C03  }
0x1e9: {  	[timem:s3], [sflag:s2] =	dma.local @!p0 [hbm:s0], s1  }
0x1ea: {  	s0 =	simm.s32 @!p0 $0x3  }
0x1eb: {  	_ =	swait.ge @!p0 [sflag:s0], s1  }
0x1ec: {  	s1 =	ssub.s32 @!p0 $0x0, s1;
	[sflag:s0] =	ssyncset.done @!p0 $0x0  }
0x1ed: {  	[sflag:s0] =	ssyncadd.s32 @!p0 s1  }
0x1ee: {  	[bflag:$0x3] =	sbarrier.arrive $0xFFFF  }
0x1ef: {  	_ =	shalt  }

</sc_bundles>
